<compile_context>
chip_gen: v7x
topology: tpu7x:2x2x1
jax: 0.10.2.dev20260603
libtpu: 0.0.44.dev20260713+nightly
codegen_flags: <defaults>
</compile_context>

<pallas_src>
import functools

import jax
import jax.numpy as jnp
from jax import lax
from jax.experimental import pallas as pl
from jax.experimental.pallas import tpu as pltpu
from jax.experimental.pallas import tpu_sc as plsc

_NBUF = 8
_DEPTH = 4
_SUB = 8
_LNS = 128


@functools.lru_cache(maxsize=None)
def _build_lookup(B, F, V, D):
    info = plsc.get_sparse_core_info()
    NC, NS = info.num_cores, info.num_subcores
    NW = NC * NS
    b_per_w = B // NW
    CW = b_per_w // _LNS
    FP = (F + _SUB - 1) // _SUB
    n_batches = F * CW
    assert B % (NW * _LNS) == 0 and CW & (CW - 1) == 0
    assert n_batches % _NBUF == 0 and n_batches >= 2 * _NBUF
    cw_sh = CW.bit_length() - 1
    mesh = plsc.VectorSubcoreMesh(core_axis_name="c", subcore_axis_name="s")

    @functools.partial(
        pl.kernel,
        mesh=mesh,
        out_type=jax.ShapeDtypeStruct((F, B, D), jnp.float32),
        scratch_types=[
            pltpu.VMEM((FP, CW, _SUB, _LNS), jnp.int32),
            pltpu.VMEM((_NBUF, _LNS, D), jnp.float32),
            pltpu.SemaphoreType.DMA((_NBUF,)),
            pltpu.SemaphoreType.DMA((_NBUF,)),
        ],
        compiler_params=pltpu.CompilerParams(
            use_tc_tiling_on_sc=False, needs_layout_passes=False
        ),
    )
    def lookup(x_hbm, tab_hbm, out_hbm, x_v, rows_v, gsem, osem):
        wid = lax.axis_index("s") * NC + lax.axis_index("c")
        b0 = wid * b_per_w
        pltpu.sync_copy(x_hbm.at[:, pl.ds(wid * CW, CW)], x_v)

        def coords(j):
            f = lax.shift_right_logical(j, cw_sh)
            c = lax.bitwise_and(j, CW - 1)
            return f, c

        def gather(j, b):
            f, c = coords(j)
            idx = x_v.at[
                lax.shift_right_logical(f, 3), c, lax.bitwise_and(f, 7)
            ]
            pltpu.async_copy(
                tab_hbm.at[f].at[idx],
                rows_v.at[b],
                gsem.at[b],
            )

        def wait_gather(b):
            pltpu.make_async_copy(
                tab_hbm.at[0].at[pl.ds(0, _LNS)], rows_v.at[b], gsem.at[b]
            ).wait()

        def copy_out(j, b):
            f, c = coords(j)
            pltpu.async_copy(
                rows_v.at[pl.ds(b, 1)],
                out_hbm.at[pl.ds(f, 1), pl.ds(b0 + c * _LNS, _LNS)],
                osem.at[b],
            )

        def wait_copy_out(b):
            pltpu.make_async_copy(
                tab_hbm.at[0].at[pl.ds(0, _LNS)], rows_v.at[b], osem.at[b]
            ).wait()

        for b in range(_DEPTH):
            gather(b, b)

        def outer(g, carry):
            for b in range(_NBUF):
                j = g * _NBUF + b
                wait_gather(b)
                copy_out(j, b)
                j2 = j + _DEPTH
                b2 = (b + _DEPTH) % _NBUF

                @pl.when(j2 < n_batches)
                def _():
                    @pl.when(j2 >= _NBUF)
                    def _():
                        wait_copy_out(b2)

                    gather(j2, b2)

            return carry

        lax.fori_loop(0, n_batches // _NBUF, outer, 0)

        for b in range(_NBUF):
            wait_copy_out(b)

    return lookup


def kernel(x, tables):
    B, F = x.shape
    Ft, V, D = tables.shape
    FP = (F + _SUB - 1) // _SUB
    xp = jnp.pad(x.T, ((0, FP * _SUB - F), (0, 0)))
    xt = xp.reshape(FP, _SUB, B // _LNS, _LNS).transpose(0, 2, 1, 3)
    out_fbd = _build_lookup(B, F, V, D)(xt, tables)
    return out_fbd.transpose(1, 0, 2)

# --- scband reference (transcript-rebuilt; emitter-appended) ---
"""Pipeline reference for scband-cembedding-25915832664239 (READ-ONLY COPY).

The authoritative reference and input builder live on the scoring server;
editing this copy changes nothing except your own understanding.
"""

import jax, jax.numpy as jnp
import numpy as np

B = 16384
F = 26
VOCAB = 100000
D = 32

def setup_inputs(seed: int = 0) -> dict:
    key = jax.random.key(seed)
    k1, k2 = jax.random.split(key)
    # indices per sparse field; StringLookup output modeled as int ids in [0, VOCAB)
    x = jax.random.randint(k1, (B, F), 0, VOCAB, dtype=jnp.int32)
    # one embedding table per feature, stacked: [F, VOCAB, D]
    tables = jax.random.normal(k2, (F, VOCAB, D), dtype=jnp.float32) * 0.02
    return {"x": x, "tables": tables}

def reference(x, tables):
    # For each feature f: emb_layers[f](lookup[f](x[:, f])) -> [B, D]
    # Then stack over features axis=1 -> [B, F, D]
    def embed_column(table, idx):
        return jnp.take(table, idx, axis=0)  # gather rows: [B, D]
    embs = jax.vmap(embed_column, in_axes=(0, 1), out_axes=1)(tables, x)
    return embs  # [B, F, D]

if __name__ == "__main__":
    import jax
    _d = setup_inputs()
    print(jax.jit(kernel)(*tuple(_d.values())))

</pallas_src>

<mosaic_0001>
#map = affine_map<(d0, d1) -> (0, 0, 0, 0)>
#map1 = affine_map<(d0, d1) -> (0, 0, 0)>
module attributes {stable_mosaic.version = 14 : i64} {
  func.func @lookup(%arg0: i32, %arg1: i32, %arg2: memref<4x128x8x128xi32, #tpu.memory_space<hbm>>, %arg3: memref<26x100000x32xf32, #tpu.memory_space<hbm>>, %arg4: memref<26x16384x32xf32, #tpu.memory_space<hbm>>, %arg5: memref<4x4x8x128xi32, #tpu.memory_space<vmem>>, %arg6: memref<8x128x32xf32, #tpu.memory_space<vmem>>, %arg7: memref<8x!tpu.dma_semaphore, #tpu.memory_space<semaphore_mem>>, %arg8: memref<8x!tpu.dma_semaphore, #tpu.memory_space<semaphore_mem>>) attributes {dimension_semantics = [#tpu.dimension_semantics<core_parallel>, #tpu.dimension_semantics<subcore_parallel>], iteration_bounds = array<i64: 2, 16>, scalar_prefetch = 0 : i64, scratch_operands = 4 : i64, tpu.core_type = #tpu.core_type<sc_vector_subcore>, window_params = [{transform_indices = #map}, {transform_indices = #map1}, {transform_indices = #map1}]} {
    %mul3A = arith.constant 2 : i32
    %mul3A_0 = arith.muli %arg1, %mul3A : i32
    %add3A = arith.addi %mul3A_0, %arg0 : i32
    %mul3A_1 = arith.constant 512 : i32
    %mul3A_2 = arith.muli %add3A, %mul3A_1 : i32
    %mul3A_3 = arith.constant 4 : i32
    %mul3A_4 = arith.muli %add3A, %mul3A_3 : i32
    "tpu.region"() ({
      %run_scoped3A = tpu.sem_alloc : memref<!tpu.dma_semaphore, #tpu.memory_space<semaphore_mem>>
      %dma_start3A_334 = arith.constant 0 : i32
      %dma_start3A_335 = arith.constant 0 : i32
      %dma_start3A_336 = arith.constant 0 : i32
      %dma_start3A_337 = tpu.memref_slice %arg2[%dma_start3A_334, %mul3A_4, %dma_start3A_335, %dma_start3A_336] : memref<4x128x8x128xi32, #tpu.memory_space<hbm>> -> memref<4x4x8x128xi32, #tpu.memory_space<hbm>>
      %dma_start3A_338 = arith.constant 0 : i32
      %dma_start3A_339 = arith.constant 0 : i32
      %dma_start3A_340 = arith.constant 0 : i32
      %dma_start3A_341 = tpu.memref_slice %arg2[%dma_start3A_338, %mul3A_4, %dma_start3A_339, %dma_start3A_340] : memref<4x128x8x128xi32, #tpu.memory_space<hbm>> -> memref<4x4x8x128xi32, #tpu.memory_space<hbm>>
      tpu.enqueue_dma source(%dma_start3A_341 : memref<4x4x8x128xi32, #tpu.memory_space<hbm>>) target(%arg5 : memref<4x4x8x128xi32, #tpu.memory_space<vmem>>) target_semaphore(%run_scoped3A : memref<!tpu.dma_semaphore, #tpu.memory_space<semaphore_mem>>)
      %dma_wait3A_342 = arith.constant 0 : i32
      %dma_wait3A_343 = arith.constant 0 : i32
      %dma_wait3A_344 = arith.constant 0 : i32
      %dma_wait3A_345 = tpu.memref_slice %arg2[%dma_wait3A_342, %mul3A_4, %dma_wait3A_343, %dma_wait3A_344] : memref<4x128x8x128xi32, #tpu.memory_space<hbm>> -> memref<4x4x8x128xi32, #tpu.memory_space<hbm>>
      %dma_wait3A_346 = arith.constant 0 : i32
      %dma_wait3A_347 = arith.constant 0 : i32
      %dma_wait3A_348 = arith.constant 0 : i32
      %dma_wait3A_349 = tpu.memref_slice %arg2[%dma_wait3A_346, %mul3A_4, %dma_wait3A_347, %dma_wait3A_348] : memref<4x128x8x128xi32, #tpu.memory_space<hbm>> -> memref<4x4x8x128xi32, #tpu.memory_space<hbm>>
      tpu.wait_dma2 semaphore(%run_scoped3A : memref<!tpu.dma_semaphore, #tpu.memory_space<semaphore_mem>>) src(%dma_wait3A_349 : memref<4x4x8x128xi32, #tpu.memory_space<hbm>>) dst(%arg5 : memref<4x4x8x128xi32, #tpu.memory_space<vmem>>)
      tpu.yield
    }) : () -> ()
    %shift_right_logical3A = arith.constant 0 : i32
    %shift_right_logical3A_5 = arith.constant 2 : i32
    %shift_right_logical3A_6 = arith.shrui %shift_right_logical3A, %shift_right_logical3A_5 : i32
    %and3A = arith.constant 0 : i32
    %and3A_7 = arith.constant 3 : i32
    %and3A_8 = arith.andi %and3A, %and3A_7 : i32
    %shift_right_logical3A_9 = arith.constant 3 : i32
    %shift_right_logical3A_10 = arith.shrui %shift_right_logical3A_6, %shift_right_logical3A_9 : i32
    %and3A_11 = arith.constant 7 : i32
    %and3A_12 = arith.andi %shift_right_logical3A_6, %and3A_11 : i32
    %dma_start3A = arith.constant 0 : i32
    %dma_start3A_13 = arith.constant 0 : i32
    %dma_start3A_14 = arith.constant 0 : i32
    %dma_start3A_15 = arith.constant 0 : i32
    %dma_start3A_16 = tpu.memref_slice %arg6[%dma_start3A, %dma_start3A_14, %dma_start3A_15] : memref<8x128x32xf32, #tpu.memory_space<vmem>> -> memref<1x128x32xf32, #tpu.memory_space<vmem>>
    %dma_start3A_17 = tpu.memref_squeeze %dma_start3A_16 : memref<1x128x32xf32, #tpu.memory_space<vmem>> -> memref<128x32xf32, #tpu.memory_space<vmem>>
    %dma_start3A_18 = arith.constant 0 : i32
    %dma_start3A_19 = tpu.memref_slice %arg5[%shift_right_logical3A_10, %and3A_8, %and3A_12, %dma_start3A_18] : memref<4x4x8x128xi32, #tpu.memory_space<vmem>> -> memref<1x1x1x128xi32, #tpu.memory_space<vmem>>
    %dma_start3A_20 = tpu.memref_squeeze %dma_start3A_19 : memref<1x1x1x128xi32, #tpu.memory_space<vmem>> -> memref<128xi32, #tpu.memory_space<vmem>>
    %dma_start3A_21 = arith.constant 0 : i32
    %dma_start3A_22 = arith.constant 0 : i32
    %dma_start3A_23 = tpu.memref_slice %arg3[%shift_right_logical3A_6, %dma_start3A_21, %dma_start3A_22] : memref<26x100000x32xf32, #tpu.memory_space<hbm>> -> memref<1x100000x32xf32, #tpu.memory_space<hbm>>
    %dma_start3A_24 = tpu.memref_squeeze %dma_start3A_23 : memref<1x100000x32xf32, #tpu.memory_space<hbm>> -> memref<100000x32xf32, #tpu.memory_space<hbm>>
    %dma_start3A_25 = arith.constant 0 : i32
    %dma_start3A_26 = arith.constant 0 : i32
    %dma_start3A_27 = tpu.memref_slice %dma_start3A_24[%dma_start3A_25, %dma_start3A_26] : memref<100000x32xf32, #tpu.memory_space<hbm>> -> memref<100000x32xf32, #tpu.memory_space<hbm>>
    %dma_start3A_28 = tpu.memref_slice %arg7[%dma_start3A_13] : memref<8x!tpu.dma_semaphore, #tpu.memory_space<semaphore_mem>> -> memref<1x!tpu.dma_semaphore, #tpu.memory_space<semaphore_mem>>
    %dma_start3A_29 = tpu.memref_squeeze %dma_start3A_28 : memref<1x!tpu.dma_semaphore, #tpu.memory_space<semaphore_mem>> -> memref<!tpu.dma_semaphore, #tpu.memory_space<semaphore_mem>>
    tpu.enqueue_indirect_dma source(%dma_start3A_27 : memref<100000x32xf32, #tpu.memory_space<hbm>>) target(%dma_start3A_17 : memref<128x32xf32, #tpu.memory_space<vmem>>) offsets(%dma_start3A_20 : memref<128xi32, #tpu.memory_space<vmem>>) semaphore(%dma_start3A_29 : memref<!tpu.dma_semaphore, #tpu.memory_space<semaphore_mem>>)
    %shift_right_logical3A_30 = arith.constant 1 : i32
    %shift_right_logical3A_31 = arith.constant 2 : i32
    %shift_right_logical3A_32 = arith.shrui %shift_right_logical3A_30, %shift_right_logical3A_31 : i32
    %and3A_33 = arith.constant 1 : i32
    %and3A_34 = arith.constant 3 : i32
    %and3A_35 = arith.andi %and3A_33, %and3A_34 : i32
    %shift_right_logical3A_36 = arith.constant 3 : i32
    %shift_right_logical3A_37 = arith.shrui %shift_right_logical3A_32, %shift_right_logical3A_36 : i32
    %and3A_38 = arith.constant 7 : i32
    %and3A_39 = arith.andi %shift_right_logical3A_32, %and3A_38 : i32
    %dma_start3A_40 = arith.constant 1 : i32
    %dma_start3A_41 = arith.constant 1 : i32
    %dma_start3A_42 = arith.constant 0 : i32
    %dma_start3A_43 = arith.constant 0 : i32
    %dma_start3A_44 = tpu.memref_slice %arg6[%dma_start3A_40, %dma_start3A_42, %dma_start3A_43] : memref<8x128x32xf32, #tpu.memory_space<vmem>> -> memref<1x128x32xf32, #tpu.memory_space<vmem>>
    %dma_start3A_45 = tpu.memref_squeeze %dma_start3A_44 : memref<1x128x32xf32, #tpu.memory_space<vmem>> -> memref<128x32xf32, #tpu.memory_space<vmem>>
    %dma_start3A_46 = arith.constant 0 : i32
    %dma_start3A_47 = tpu.memref_slice %arg5[%shift_right_logical3A_37, %and3A_35, %and3A_39, %dma_start3A_46] : memref<4x4x8x128xi32, #tpu.memory_space<vmem>> -> memref<1x1x1x128xi32, #tpu.memory_space<vmem>>
    %dma_start3A_48 = tpu.memref_squeeze %dma_start3A_47 : memref<1x1x1x128xi32, #tpu.memory_space<vmem>> -> memref<128xi32, #tpu.memory_space<vmem>>
    %dma_start3A_49 = arith.constant 0 : i32
    %dma_start3A_50 = arith.constant 0 : i32
    %dma_start3A_51 = tpu.memref_slice %arg3[%shift_right_logical3A_32, %dma_start3A_49, %dma_start3A_50] : memref<26x100000x32xf32, #tpu.memory_space<hbm>> -> memref<1x100000x32xf32, #tpu.memory_space<hbm>>
    %dma_start3A_52 = tpu.memref_squeeze %dma_start3A_51 : memref<1x100000x32xf32, #tpu.memory_space<hbm>> -> memref<100000x32xf32, #tpu.memory_space<hbm>>
    %dma_start3A_53 = arith.constant 0 : i32
    %dma_start3A_54 = arith.constant 0 : i32
    %dma_start3A_55 = tpu.memref_slice %dma_start3A_52[%dma_start3A_53, %dma_start3A_54] : memref<100000x32xf32, #tpu.memory_space<hbm>> -> memref<100000x32xf32, #tpu.memory_space<hbm>>
    %dma_start3A_56 = tpu.memref_slice %arg7[%dma_start3A_41] : memref<8x!tpu.dma_semaphore, #tpu.memory_space<semaphore_mem>> -> memref<1x!tpu.dma_semaphore, #tpu.memory_space<semaphore_mem>>
    %dma_start3A_57 = tpu.memref_squeeze %dma_start3A_56 : memref<1x!tpu.dma_semaphore, #tpu.memory_space<semaphore_mem>> -> memref<!tpu.dma_semaphore, #tpu.memory_space<semaphore_mem>>
    tpu.enqueue_indirect_dma source(%dma_start3A_55 : memref<100000x32xf32, #tpu.memory_space<hbm>>) target(%dma_start3A_45 : memref<128x32xf32, #tpu.memory_space<vmem>>) offsets(%dma_start3A_48 : memref<128xi32, #tpu.memory_space<vmem>>) semaphore(%dma_start3A_57 : memref<!tpu.dma_semaphore, #tpu.memory_space<semaphore_mem>>)
    %shift_right_logical3A_58 = arith.constant 2 : i32
    %shift_right_logical3A_59 = arith.constant 2 : i32
    %shift_right_logical3A_60 = arith.shrui %shift_right_logical3A_58, %shift_right_logical3A_59 : i32
    %and3A_61 = arith.constant 2 : i32
    %and3A_62 = arith.constant 3 : i32
    %and3A_63 = arith.andi %and3A_61, %and3A_62 : i32
    %shift_right_logical3A_64 = arith.constant 3 : i32
    %shift_right_logical3A_65 = arith.shrui %shift_right_logical3A_60, %shift_right_logical3A_64 : i32
    %and3A_66 = arith.constant 7 : i32
    %and3A_67 = arith.andi %shift_right_logical3A_60, %and3A_66 : i32
    %dma_start3A_68 = arith.constant 2 : i32
    %dma_start3A_69 = arith.constant 2 : i32
    %dma_start3A_70 = arith.constant 0 : i32
    %dma_start3A_71 = arith.constant 0 : i32
    %dma_start3A_72 = tpu.memref_slice %arg6[%dma_start3A_68, %dma_start3A_70, %dma_start3A_71] : memref<8x128x32xf32, #tpu.memory_space<vmem>> -> memref<1x128x32xf32, #tpu.memory_space<vmem>>
    %dma_start3A_73 = tpu.memref_squeeze %dma_start3A_72 : memref<1x128x32xf32, #tpu.memory_space<vmem>> -> memref<128x32xf32, #tpu.memory_space<vmem>>
    %dma_start3A_74 = arith.constant 0 : i32
    %dma_start3A_75 = tpu.memref_slice %arg5[%shift_right_logical3A_65, %and3A_63, %and3A_67, %dma_start3A_74] : memref<4x4x8x128xi32, #tpu.memory_space<vmem>> -> memref<1x1x1x128xi32, #tpu.memory_space<vmem>>
    %dma_start3A_76 = tpu.memref_squeeze %dma_start3A_75 : memref<1x1x1x128xi32, #tpu.memory_space<vmem>> -> memref<128xi32, #tpu.memory_space<vmem>>
    %dma_start3A_77 = arith.constant 0 : i32
    %dma_start3A_78 = arith.constant 0 : i32
    %dma_start3A_79 = tpu.memref_slice %arg3[%shift_right_logical3A_60, %dma_start3A_77, %dma_start3A_78] : memref<26x100000x32xf32, #tpu.memory_space<hbm>> -> memref<1x100000x32xf32, #tpu.memory_space<hbm>>
    %dma_start3A_80 = tpu.memref_squeeze %dma_start3A_79 : memref<1x100000x32xf32, #tpu.memory_space<hbm>> -> memref<100000x32xf32, #tpu.memory_space<hbm>>
    %dma_start3A_81 = arith.constant 0 : i32
    %dma_start3A_82 = arith.constant 0 : i32
    %dma_start3A_83 = tpu.memref_slice %dma_start3A_80[%dma_start3A_81, %dma_start3A_82] : memref<100000x32xf32, #tpu.memory_space<hbm>> -> memref<100000x32xf32, #tpu.memory_space<hbm>>
    %dma_start3A_84 = tpu.memref_slice %arg7[%dma_start3A_69] : memref<8x!tpu.dma_semaphore, #tpu.memory_space<semaphore_mem>> -> memref<1x!tpu.dma_semaphore, #tpu.memory_space<semaphore_mem>>
    %dma_start3A_85 = tpu.memref_squeeze %dma_start3A_84 : memref<1x!tpu.dma_semaphore, #tpu.memory_space<semaphore_mem>> -> memref<!tpu.dma_semaphore, #tpu.memory_space<semaphore_mem>>
    tpu.enqueue_indirect_dma source(%dma_start3A_83 : memref<100000x32xf32, #tpu.memory_space<hbm>>) target(%dma_start3A_73 : memref<128x32xf32, #tpu.memory_space<vmem>>) offsets(%dma_start3A_76 : memref<128xi32, #tpu.memory_space<vmem>>) semaphore(%dma_start3A_85 : memref<!tpu.dma_semaphore, #tpu.memory_space<semaphore_mem>>)
    %shift_right_logical3A_86 = arith.constant 3 : i32
    %shift_right_logical3A_87 = arith.constant 2 : i32
    %shift_right_logical3A_88 = arith.shrui %shift_right_logical3A_86, %shift_right_logical3A_87 : i32
    %and3A_89 = arith.constant 3 : i32
    %and3A_90 = arith.constant 3 : i32
    %and3A_91 = arith.andi %and3A_89, %and3A_90 : i32
    %shift_right_logical3A_92 = arith.constant 3 : i32
    %shift_right_logical3A_93 = arith.shrui %shift_right_logical3A_88, %shift_right_logical3A_92 : i32
    %and3A_94 = arith.constant 7 : i32
    %and3A_95 = arith.andi %shift_right_logical3A_88, %and3A_94 : i32
    %dma_start3A_96 = arith.constant 3 : i32
    %dma_start3A_97 = arith.constant 3 : i32
    %dma_start3A_98 = arith.constant 0 : i32
    %dma_start3A_99 = arith.constant 0 : i32
    %dma_start3A_100 = tpu.memref_slice %arg6[%dma_start3A_96, %dma_start3A_98, %dma_start3A_99] : memref<8x128x32xf32, #tpu.memory_space<vmem>> -> memref<1x128x32xf32, #tpu.memory_space<vmem>>
    %dma_start3A_101 = tpu.memref_squeeze %dma_start3A_100 : memref<1x128x32xf32, #tpu.memory_space<vmem>> -> memref<128x32xf32, #tpu.memory_space<vmem>>
    %dma_start3A_102 = arith.constant 0 : i32
    %dma_start3A_103 = tpu.memref_slice %arg5[%shift_right_logical3A_93, %and3A_91, %and3A_95, %dma_start3A_102] : memref<4x4x8x128xi32, #tpu.memory_space<vmem>> -> memref<1x1x1x128xi32, #tpu.memory_space<vmem>>
    %dma_start3A_104 = tpu.memref_squeeze %dma_start3A_103 : memref<1x1x1x128xi32, #tpu.memory_space<vmem>> -> memref<128xi32, #tpu.memory_space<vmem>>
    %dma_start3A_105 = arith.constant 0 : i32
    %dma_start3A_106 = arith.constant 0 : i32
    %dma_start3A_107 = tpu.memref_slice %arg3[%shift_right_logical3A_88, %dma_start3A_105, %dma_start3A_106] : memref<26x100000x32xf32, #tpu.memory_space<hbm>> -> memref<1x100000x32xf32, #tpu.memory_space<hbm>>
    %dma_start3A_108 = tpu.memref_squeeze %dma_start3A_107 : memref<1x100000x32xf32, #tpu.memory_space<hbm>> -> memref<100000x32xf32, #tpu.memory_space<hbm>>
    %dma_start3A_109 = arith.constant 0 : i32
    %dma_start3A_110 = arith.constant 0 : i32
    %dma_start3A_111 = tpu.memref_slice %dma_start3A_108[%dma_start3A_109, %dma_start3A_110] : memref<100000x32xf32, #tpu.memory_space<hbm>> -> memref<100000x32xf32, #tpu.memory_space<hbm>>
    %dma_start3A_112 = tpu.memref_slice %arg7[%dma_start3A_97] : memref<8x!tpu.dma_semaphore, #tpu.memory_space<semaphore_mem>> -> memref<1x!tpu.dma_semaphore, #tpu.memory_space<semaphore_mem>>
    %dma_start3A_113 = tpu.memref_squeeze %dma_start3A_112 : memref<1x!tpu.dma_semaphore, #tpu.memory_space<semaphore_mem>> -> memref<!tpu.dma_semaphore, #tpu.memory_space<semaphore_mem>>
    tpu.enqueue_indirect_dma source(%dma_start3A_111 : memref<100000x32xf32, #tpu.memory_space<hbm>>) target(%dma_start3A_101 : memref<128x32xf32, #tpu.memory_space<vmem>>) offsets(%dma_start3A_104 : memref<128xi32, #tpu.memory_space<vmem>>) semaphore(%dma_start3A_113 : memref<!tpu.dma_semaphore, #tpu.memory_space<semaphore_mem>>)
    %scan3A = arith.constant 0 : i32
    %scan3A_114 = arith.constant 0 : i32
    %scan3A_115 = arith.constant 13 : i32
    %scan3A_116 = arith.addi %scan3A_114, %scan3A_115 : i32
    %scan3A_117 = arith.constant 1 : i32
    scf.for %scan3A_334 = %scan3A_114 to %scan3A_116 step %scan3A_117  : i32 {
      %mul3A_335 = arith.constant 8 : i32
      %mul3A_336 = arith.muli %scan3A_334, %mul3A_335 : i32
      %add3A_337 = arith.constant 0 : i32
      %add3A_338 = arith.addi %mul3A_336, %add3A_337 : i32
      %dma_wait3A_339 = arith.constant 0 : i32
      %dma_wait3A_340 = arith.constant 0 : i32
      %dma_wait3A_341 = arith.constant 0 : i32
      %dma_wait3A_342 = arith.constant 0 : i32
      %dma_wait3A_343 = arith.constant 0 : i32
      %dma_wait3A_344 = tpu.memref_slice %arg6[%dma_wait3A_340, %dma_wait3A_342, %dma_wait3A_343] : memref<8x128x32xf32, #tpu.memory_space<vmem>> -> memref<1x128x32xf32, #tpu.memory_space<vmem>>
      %dma_wait3A_345 = tpu.memref_squeeze %dma_wait3A_344 : memref<1x128x32xf32, #tpu.memory_space<vmem>> -> memref<128x32xf32, #tpu.memory_space<vmem>>
      %dma_wait3A_346 = arith.constant 0 : i32
      %dma_wait3A_347 = arith.constant 0 : i32
      %dma_wait3A_348 = tpu.memref_slice %arg3[%dma_wait3A_339, %dma_wait3A_346, %dma_wait3A_347] : memref<26x100000x32xf32, #tpu.memory_space<hbm>> -> memref<1x100000x32xf32, #tpu.memory_space<hbm>>
      %dma_wait3A_349 = tpu.memref_squeeze %dma_wait3A_348 : memref<1x100000x32xf32, #tpu.memory_space<hbm>> -> memref<100000x32xf32, #tpu.memory_space<hbm>>
      %dma_wait3A_350 = arith.constant 0 : i32
      %dma_wait3A_351 = arith.constant 0 : i32
      %dma_wait3A_352 = tpu.memref_slice %dma_wait3A_349[%dma_wait3A_350, %dma_wait3A_351] : memref<100000x32xf32, #tpu.memory_space<hbm>> -> memref<128x32xf32, #tpu.memory_space<hbm>>
      %dma_wait3A_353 = tpu.memref_slice %arg7[%dma_wait3A_341] : memref<8x!tpu.dma_semaphore, #tpu.memory_space<semaphore_mem>> -> memref<1x!tpu.dma_semaphore, #tpu.memory_space<semaphore_mem>>
      %dma_wait3A_354 = tpu.memref_squeeze %dma_wait3A_353 : memref<1x!tpu.dma_semaphore, #tpu.memory_space<semaphore_mem>> -> memref<!tpu.dma_semaphore, #tpu.memory_space<semaphore_mem>>
      %dma_wait3A_355 = arith.constant 0 : i32
      %dma_wait3A_356 = arith.constant 0 : i32
      %dma_wait3A_357 = tpu.memref_slice %arg6[%dma_wait3A_340, %dma_wait3A_355, %dma_wait3A_356] : memref<8x128x32xf32, #tpu.memory_space<vmem>> -> memref<1x128x32xf32, #tpu.memory_space<vmem>>
      %dma_wait3A_358 = tpu.memref_squeeze %dma_wait3A_357 : memref<1x128x32xf32, #tpu.memory_space<vmem>> -> memref<128x32xf32, #tpu.memory_space<vmem>>
      %dma_wait3A_359 = arith.constant 0 : i32
      %dma_wait3A_360 = arith.constant 0 : i32
      %dma_wait3A_361 = tpu.memref_slice %arg3[%dma_wait3A_339, %dma_wait3A_359, %dma_wait3A_360] : memref<26x100000x32xf32, #tpu.memory_space<hbm>> -> memref<1x100000x32xf32, #tpu.memory_space<hbm>>
      %dma_wait3A_362 = tpu.memref_squeeze %dma_wait3A_361 : memref<1x100000x32xf32, #tpu.memory_space<hbm>> -> memref<100000x32xf32, #tpu.memory_space<hbm>>
      %dma_wait3A_363 = arith.constant 0 : i32
      %dma_wait3A_364 = arith.constant 0 : i32
      %dma_wait3A_365 = tpu.memref_slice %dma_wait3A_362[%dma_wait3A_363, %dma_wait3A_364] : memref<100000x32xf32, #tpu.memory_space<hbm>> -> memref<128x32xf32, #tpu.memory_space<hbm>>
      tpu.wait_dma2 semaphore(%dma_wait3A_354 : memref<!tpu.dma_semaphore, #tpu.memory_space<semaphore_mem>>) src(%dma_wait3A_365 : memref<128x32xf32, #tpu.memory_space<hbm>>) dst(%dma_wait3A_358 : memref<128x32xf32, #tpu.memory_space<vmem>>)
      %shift_right_logical3A_366 = arith.constant 2 : i32
      %shift_right_logical3A_367 = arith.shrui %add3A_338, %shift_right_logical3A_366 : i32
      %and3A_368 = arith.constant 3 : i32
      %and3A_369 = arith.andi %add3A_338, %and3A_368 : i32
      %mul3A_370 = arith.constant 128 : i32
      %mul3A_371 = arith.muli %and3A_369, %mul3A_370 : i32
      %add3A_372 = arith.addi %mul3A_2, %mul3A_371 : i32
      %dma_start3A_373 = arith.constant 0 : i32
      %dma_start3A_374 = arith.constant 0 : i32
      %dma_start3A_375 = arith.constant 0 : i32
      %dma_start3A_376 = arith.constant 0 : i32
      %dma_start3A_377 = tpu.memref_slice %arg6[%dma_start3A_374, %dma_start3A_375, %dma_start3A_376] : memref<8x128x32xf32, #tpu.memory_space<vmem>> -> memref<1x128x32xf32, #tpu.memory_space<vmem>>
      %dma_start3A_378 = arith.constant 0 : i32
      %dma_start3A_379 = tpu.memref_slice %arg4[%shift_right_logical3A_367, %add3A_372, %dma_start3A_378] : memref<26x16384x32xf32, #tpu.memory_space<hbm>> -> memref<1x128x32xf32, #tpu.memory_space<hbm>>
      %dma_start3A_380 = tpu.memref_slice %arg8[%dma_start3A_373] : memref<8x!tpu.dma_semaphore, #tpu.memory_space<semaphore_mem>> -> memref<1x!tpu.dma_semaphore, #tpu.memory_space<semaphore_mem>>
      %dma_start3A_381 = tpu.memref_squeeze %dma_start3A_380 : memref<1x!tpu.dma_semaphore, #tpu.memory_space<semaphore_mem>> -> memref<!tpu.dma_semaphore, #tpu.memory_space<semaphore_mem>>
      %dma_start3A_382 = arith.constant 0 : i32
      %dma_start3A_383 = tpu.memref_slice %arg4[%shift_right_logical3A_367, %add3A_372, %dma_start3A_382] : memref<26x16384x32xf32, #tpu.memory_space<hbm>> -> memref<1x128x32xf32, #tpu.memory_space<hbm>>
      %dma_start3A_384 = arith.constant 0 : i32
      %dma_start3A_385 = arith.constant 0 : i32
      %dma_start3A_386 = arith.constant 0 : i32
      %dma_start3A_387 = tpu.memref_slice %arg6[%dma_start3A_384, %dma_start3A_385, %dma_start3A_386] : memref<8x128x32xf32, #tpu.memory_space<vmem>> -> memref<1x128x32xf32, #tpu.memory_space<vmem>>
      tpu.enqueue_dma source(%dma_start3A_387 : memref<1x128x32xf32, #tpu.memory_space<vmem>>) target(%dma_start3A_383 : memref<1x128x32xf32, #tpu.memory_space<hbm>>) target_semaphore(%dma_start3A_381 : memref<!tpu.dma_semaphore, #tpu.memory_space<semaphore_mem>>)
      %add3A_388 = arith.constant 4 : i32
      %add3A_389 = arith.addi %add3A_338, %add3A_388 : i32
      %lt3A = arith.constant 104 : i32
      %lt3A_390 = arith.cmpi slt, %add3A_389, %lt3A : i32
      %convert_element_type3A = arith.extui %lt3A_390 : i1 to i32
      %cond3A = arith.constant 0 : i32
      %cond3A_391 = arith.cmpi ne, %convert_element_type3A, %cond3A : i32
      scf.if %cond3A_391 {
        %ge3A = arith.constant 8 : i32
        %ge3A_812 = arith.cmpi sge, %add3A_389, %ge3A : i32
        %convert_element_type3A_813 = arith.extui %ge3A_812 : i1 to i32
        %cond3A_814 = arith.constant 0 : i32
        %cond3A_815 = arith.cmpi ne, %convert_element_type3A_813, %cond3A_814 : i32
        scf.if %cond3A_815 {
          %dma_wait3A_842 = arith.constant 0 : i32
          %dma_wait3A_843 = arith.constant 4 : i32
          %dma_wait3A_844 = arith.constant 4 : i32
          %dma_wait3A_845 = arith.constant 0 : i32
          %dma_wait3A_846 = arith.constant 0 : i32
          %dma_wait3A_847 = tpu.memref_slice %arg6[%dma_wait3A_843, %dma_wait3A_845, %dma_wait3A_846] : memref<8x128x32xf32, #tpu.memory_space<vmem>> -> memref<1x128x32xf32, #tpu.memory_space<vmem>>
          %dma_wait3A_848 = tpu.memref_squeeze %dma_wait3A_847 : memref<1x128x32xf32, #tpu.memory_space<vmem>> -> memref<128x32xf32, #tpu.memory_space<vmem>>
          %dma_wait3A_849 = arith.constant 0 : i32
          %dma_wait3A_850 = arith.constant 0 : i32
          %dma_wait3A_851 = tpu.memref_slice %arg3[%dma_wait3A_842, %dma_wait3A_849, %dma_wait3A_850] : memref<26x100000x32xf32, #tpu.memory_space<hbm>> -> memref<1x100000x32xf32, #tpu.memory_space<hbm>>
          %dma_wait3A_852 = tpu.memref_squeeze %dma_wait3A_851 : memref<1x100000x32xf32, #tpu.memory_space<hbm>> -> memref<100000x32xf32, #tpu.memory_space<hbm>>
          %dma_wait3A_853 = arith.constant 0 : i32
          %dma_wait3A_854 = arith.constant 0 : i32
          %dma_wait3A_855 = tpu.memref_slice %dma_wait3A_852[%dma_wait3A_853, %dma_wait3A_854] : memref<100000x32xf32, #tpu.memory_space<hbm>> -> memref<128x32xf32, #tpu.memory_space<hbm>>
          %dma_wait3A_856 = tpu.memref_slice %arg8[%dma_wait3A_844] : memref<8x!tpu.dma_semaphore, #tpu.memory_space<semaphore_mem>> -> memref<1x!tpu.dma_semaphore, #tpu.memory_space<semaphore_mem>>
          %dma_wait3A_857 = tpu.memref_squeeze %dma_wait3A_856 : memref<1x!tpu.dma_semaphore, #tpu.memory_space<semaphore_mem>> -> memref<!tpu.dma_semaphore, #tpu.memory_space<semaphore_mem>>
          %dma_wait3A_858 = arith.constant 0 : i32
          %dma_wait3A_859 = arith.constant 0 : i32
          %dma_wait3A_860 = tpu.memref_slice %arg6[%dma_wait3A_843, %dma_wait3A_858, %dma_wait3A_859] : memref<8x128x32xf32, #tpu.memory_space<vmem>> -> memref<1x128x32xf32, #tpu.memory_space<vmem>>
          %dma_wait3A_861 = tpu.memref_squeeze %dma_wait3A_860 : memref<1x128x32xf32, #tpu.memory_space<vmem>> -> memref<128x32xf32, #tpu.memory_space<vmem>>
          %dma_wait3A_862 = arith.constant 0 : i32
          %dma_wait3A_863 = arith.constant 0 : i32
          %dma_wait3A_864 = tpu.memref_slice %arg3[%dma_wait3A_842, %dma_wait3A_862, %dma_wait3A_863] : memref<26x100000x32xf32, #tpu.memory_space<hbm>> -> memref<1x100000x32xf32, #tpu.memory_space<hbm>>
          %dma_wait3A_865 = tpu.memref_squeeze %dma_wait3A_864 : memref<1x100000x32xf32, #tpu.memory_space<hbm>> -> memref<100000x32xf32, #tpu.memory_space<hbm>>
          %dma_wait3A_866 = arith.constant 0 : i32
          %dma_wait3A_867 = arith.constant 0 : i32
          %dma_wait3A_868 = tpu.memref_slice %dma_wait3A_865[%dma_wait3A_866, %dma_wait3A_867] : memref<100000x32xf32, #tpu.memory_space<hbm>> -> memref<128x32xf32, #tpu.memory_space<hbm>>
          tpu.wait_dma2 semaphore(%dma_wait3A_857 : memref<!tpu.dma_semaphore, #tpu.memory_space<semaphore_mem>>) src(%dma_wait3A_868 : memref<128x32xf32, #tpu.memory_space<hbm>>) dst(%dma_wait3A_861 : memref<128x32xf32, #tpu.memory_space<vmem>>)
        } else {
        }
        %shift_right_logical3A_816 = arith.constant 2 : i32
        %shift_right_logical3A_817 = arith.shrui %add3A_389, %shift_right_logical3A_816 : i32
        %and3A_818 = arith.constant 3 : i32
        %and3A_819 = arith.andi %add3A_389, %and3A_818 : i32
        %shift_right_logical3A_820 = arith.constant 3 : i32
        %shift_right_logical3A_821 = arith.shrui %shift_right_logical3A_817, %shift_right_logical3A_820 : i32
        %and3A_822 = arith.constant 7 : i32
        %and3A_823 = arith.andi %shift_right_logical3A_817, %and3A_822 : i32
        %dma_start3A_824 = arith.constant 4 : i32
        %dma_start3A_825 = arith.constant 4 : i32
        %dma_start3A_826 = arith.constant 0 : i32
        %dma_start3A_827 = arith.constant 0 : i32
        %dma_start3A_828 = tpu.memref_slice %arg6[%dma_start3A_824, %dma_start3A_826, %dma_start3A_827] : memref<8x128x32xf32, #tpu.memory_space<vmem>> -> memref<1x128x32xf32, #tpu.memory_space<vmem>>
        %dma_start3A_829 = tpu.memref_squeeze %dma_start3A_828 : memref<1x128x32xf32, #tpu.memory_space<vmem>> -> memref<128x32xf32, #tpu.memory_space<vmem>>
        %dma_start3A_830 = arith.constant 0 : i32
        %dma_start3A_831 = tpu.memref_slice %arg5[%shift_right_logical3A_821, %and3A_819, %and3A_823, %dma_start3A_830] : memref<4x4x8x128xi32, #tpu.memory_space<vmem>> -> memref<1x1x1x128xi32, #tpu.memory_space<vmem>>
        %dma_start3A_832 = tpu.memref_squeeze %dma_start3A_831 : memref<1x1x1x128xi32, #tpu.memory_space<vmem>> -> memref<128xi32, #tpu.memory_space<vmem>>
        %dma_start3A_833 = arith.constant 0 : i32
        %dma_start3A_834 = arith.constant 0 : i32
        %dma_start3A_835 = tpu.memref_slice %arg3[%shift_right_logical3A_817, %dma_start3A_833, %dma_start3A_834] : memref<26x100000x32xf32, #tpu.memory_space<hbm>> -> memref<1x100000x32xf32, #tpu.memory_space<hbm>>
        %dma_start3A_836 = tpu.memref_squeeze %dma_start3A_835 : memref<1x100000x32xf32, #tpu.memory_space<hbm>> -> memref<100000x32xf32, #tpu.memory_space<hbm>>
        %dma_start3A_837 = arith.constant 0 : i32
        %dma_start3A_838 = arith.constant 0 : i32
        %dma_start3A_839 = tpu.memref_slice %dma_start3A_836[%dma_start3A_837, %dma_start3A_838] : memref<100000x32xf32, #tpu.memory_space<hbm>> -> memref<100000x32xf32, #tpu.memory_space<hbm>>
        %dma_start3A_840 = tpu.memref_slice %arg7[%dma_start3A_825] : memref<8x!tpu.dma_semaphore, #tpu.memory_space<semaphore_mem>> -> memref<1x!tpu.dma_semaphore, #tpu.memory_space<semaphore_mem>>
        %dma_start3A_841 = tpu.memref_squeeze %dma_start3A_840 : memref<1x!tpu.dma_semaphore, #tpu.memory_space<semaphore_mem>> -> memref<!tpu.dma_semaphore, #tpu.memory_space<semaphore_mem>>
        tpu.enqueue_indirect_dma source(%dma_start3A_839 : memref<100000x32xf32, #tpu.memory_space<hbm>>) target(%dma_start3A_829 : memref<128x32xf32, #tpu.memory_space<vmem>>) offsets(%dma_start3A_832 : memref<128xi32, #tpu.memory_space<vmem>>) semaphore(%dma_start3A_841 : memref<!tpu.dma_semaphore, #tpu.memory_space<semaphore_mem>>)
      } else {
      }
      %mul3A_392 = arith.constant 8 : i32
      %mul3A_393 = arith.muli %scan3A_334, %mul3A_392 : i32
      %add3A_394 = arith.constant 1 : i32
      %add3A_395 = arith.addi %mul3A_393, %add3A_394 : i32
      %dma_wait3A_396 = arith.constant 0 : i32
      %dma_wait3A_397 = arith.constant 1 : i32
      %dma_wait3A_398 = arith.constant 1 : i32
      %dma_wait3A_399 = arith.constant 0 : i32
      %dma_wait3A_400 = arith.constant 0 : i32
      %dma_wait3A_401 = tpu.memref_slice %arg6[%dma_wait3A_397, %dma_wait3A_399, %dma_wait3A_400] : memref<8x128x32xf32, #tpu.memory_space<vmem>> -> memref<1x128x32xf32, #tpu.memory_space<vmem>>
      %dma_wait3A_402 = tpu.memref_squeeze %dma_wait3A_401 : memref<1x128x32xf32, #tpu.memory_space<vmem>> -> memref<128x32xf32, #tpu.memory_space<vmem>>
      %dma_wait3A_403 = arith.constant 0 : i32
      %dma_wait3A_404 = arith.constant 0 : i32
      %dma_wait3A_405 = tpu.memref_slice %arg3[%dma_wait3A_396, %dma_wait3A_403, %dma_wait3A_404] : memref<26x100000x32xf32, #tpu.memory_space<hbm>> -> memref<1x100000x32xf32, #tpu.memory_space<hbm>>
      %dma_wait3A_406 = tpu.memref_squeeze %dma_wait3A_405 : memref<1x100000x32xf32, #tpu.memory_space<hbm>> -> memref<100000x32xf32, #tpu.memory_space<hbm>>
      %dma_wait3A_407 = arith.constant 0 : i32
      %dma_wait3A_408 = arith.constant 0 : i32
      %dma_wait3A_409 = tpu.memref_slice %dma_wait3A_406[%dma_wait3A_407, %dma_wait3A_408] : memref<100000x32xf32, #tpu.memory_space<hbm>> -> memref<128x32xf32, #tpu.memory_space<hbm>>
      %dma_wait3A_410 = tpu.memref_slice %arg7[%dma_wait3A_398] : memref<8x!tpu.dma_semaphore, #tpu.memory_space<semaphore_mem>> -> memref<1x!tpu.dma_semaphore, #tpu.memory_space<semaphore_mem>>
      %dma_wait3A_411 = tpu.memref_squeeze %dma_wait3A_410 : memref<1x!tpu.dma_semaphore, #tpu.memory_space<semaphore_mem>> -> memref<!tpu.dma_semaphore, #tpu.memory_space<semaphore_mem>>
      %dma_wait3A_412 = arith.constant 0 : i32
      %dma_wait3A_413 = arith.constant 0 : i32
      %dma_wait3A_414 = tpu.memref_slice %arg6[%dma_wait3A_397, %dma_wait3A_412, %dma_wait3A_413] : memref<8x128x32xf32, #tpu.memory_space<vmem>> -> memref<1x128x32xf32, #tpu.memory_space<vmem>>
      %dma_wait3A_415 = tpu.memref_squeeze %dma_wait3A_414 : memref<1x128x32xf32, #tpu.memory_space<vmem>> -> memref<128x32xf32, #tpu.memory_space<vmem>>
      %dma_wait3A_416 = arith.constant 0 : i32
      %dma_wait3A_417 = arith.constant 0 : i32
      %dma_wait3A_418 = tpu.memref_slice %arg3[%dma_wait3A_396, %dma_wait3A_416, %dma_wait3A_417] : memref<26x100000x32xf32, #tpu.memory_space<hbm>> -> memref<1x100000x32xf32, #tpu.memory_space<hbm>>
      %dma_wait3A_419 = tpu.memref_squeeze %dma_wait3A_418 : memref<1x100000x32xf32, #tpu.memory_space<hbm>> -> memref<100000x32xf32, #tpu.memory_space<hbm>>
      %dma_wait3A_420 = arith.constant 0 : i32
      %dma_wait3A_421 = arith.constant 0 : i32
      %dma_wait3A_422 = tpu.memref_slice %dma_wait3A_419[%dma_wait3A_420, %dma_wait3A_421] : memref<100000x32xf32, #tpu.memory_space<hbm>> -> memref<128x32xf32, #tpu.memory_space<hbm>>
      tpu.wait_dma2 semaphore(%dma_wait3A_411 : memref<!tpu.dma_semaphore, #tpu.memory_space<semaphore_mem>>) src(%dma_wait3A_422 : memref<128x32xf32, #tpu.memory_space<hbm>>) dst(%dma_wait3A_415 : memref<128x32xf32, #tpu.memory_space<vmem>>)
      %shift_right_logical3A_423 = arith.constant 2 : i32
      %shift_right_logical3A_424 = arith.shrui %add3A_395, %shift_right_logical3A_423 : i32
      %and3A_425 = arith.constant 3 : i32
      %and3A_426 = arith.andi %add3A_395, %and3A_425 : i32
      %mul3A_427 = arith.constant 128 : i32
      %mul3A_428 = arith.muli %and3A_426, %mul3A_427 : i32
      %add3A_429 = arith.addi %mul3A_2, %mul3A_428 : i32
      %dma_start3A_430 = arith.constant 1 : i32
      %dma_start3A_431 = arith.constant 1 : i32
      %dma_start3A_432 = arith.constant 0 : i32
      %dma_start3A_433 = arith.constant 0 : i32
      %dma_start3A_434 = tpu.memref_slice %arg6[%dma_start3A_431, %dma_start3A_432, %dma_start3A_433] : memref<8x128x32xf32, #tpu.memory_space<vmem>> -> memref<1x128x32xf32, #tpu.memory_space<vmem>>
      %dma_start3A_435 = arith.constant 0 : i32
      %dma_start3A_436 = tpu.memref_slice %arg4[%shift_right_logical3A_424, %add3A_429, %dma_start3A_435] : memref<26x16384x32xf32, #tpu.memory_space<hbm>> -> memref<1x128x32xf32, #tpu.memory_space<hbm>>
      %dma_start3A_437 = tpu.memref_slice %arg8[%dma_start3A_430] : memref<8x!tpu.dma_semaphore, #tpu.memory_space<semaphore_mem>> -> memref<1x!tpu.dma_semaphore, #tpu.memory_space<semaphore_mem>>
      %dma_start3A_438 = tpu.memref_squeeze %dma_start3A_437 : memref<1x!tpu.dma_semaphore, #tpu.memory_space<semaphore_mem>> -> memref<!tpu.dma_semaphore, #tpu.memory_space<semaphore_mem>>
      %dma_start3A_439 = arith.constant 0 : i32
      %dma_start3A_440 = tpu.memref_slice %arg4[%shift_right_logical3A_424, %add3A_429, %dma_start3A_439] : memref<26x16384x32xf32, #tpu.memory_space<hbm>> -> memref<1x128x32xf32, #tpu.memory_space<hbm>>
      %dma_start3A_441 = arith.constant 1 : i32
      %dma_start3A_442 = arith.constant 0 : i32
      %dma_start3A_443 = arith.constant 0 : i32
      %dma_start3A_444 = tpu.memref_slice %arg6[%dma_start3A_441, %dma_start3A_442, %dma_start3A_443] : memref<8x128x32xf32, #tpu.memory_space<vmem>> -> memref<1x128x32xf32, #tpu.memory_space<vmem>>
      tpu.enqueue_dma source(%dma_start3A_444 : memref<1x128x32xf32, #tpu.memory_space<vmem>>) target(%dma_start3A_440 : memref<1x128x32xf32, #tpu.memory_space<hbm>>) target_semaphore(%dma_start3A_438 : memref<!tpu.dma_semaphore, #tpu.memory_space<semaphore_mem>>)
      %add3A_445 = arith.constant 4 : i32
      %add3A_446 = arith.addi %add3A_395, %add3A_445 : i32
      %lt3A_447 = arith.constant 104 : i32
      %lt3A_448 = arith.cmpi slt, %add3A_446, %lt3A_447 : i32
      %convert_element_type3A_449 = arith.extui %lt3A_448 : i1 to i32
      %cond3A_450 = arith.constant 0 : i32
      %cond3A_451 = arith.cmpi ne, %convert_element_type3A_449, %cond3A_450 : i32
      scf.if %cond3A_451 {
        %ge3A = arith.constant 8 : i32
        %ge3A_812 = arith.cmpi sge, %add3A_446, %ge3A : i32
        %convert_element_type3A_813 = arith.extui %ge3A_812 : i1 to i32
        %cond3A_814 = arith.constant 0 : i32
        %cond3A_815 = arith.cmpi ne, %convert_element_type3A_813, %cond3A_814 : i32
        scf.if %cond3A_815 {
          %dma_wait3A_842 = arith.constant 0 : i32
          %dma_wait3A_843 = arith.constant 5 : i32
          %dma_wait3A_844 = arith.constant 5 : i32
          %dma_wait3A_845 = arith.constant 0 : i32
          %dma_wait3A_846 = arith.constant 0 : i32
          %dma_wait3A_847 = tpu.memref_slice %arg6[%dma_wait3A_843, %dma_wait3A_845, %dma_wait3A_846] : memref<8x128x32xf32, #tpu.memory_space<vmem>> -> memref<1x128x32xf32, #tpu.memory_space<vmem>>
          %dma_wait3A_848 = tpu.memref_squeeze %dma_wait3A_847 : memref<1x128x32xf32, #tpu.memory_space<vmem>> -> memref<128x32xf32, #tpu.memory_space<vmem>>
          %dma_wait3A_849 = arith.constant 0 : i32
          %dma_wait3A_850 = arith.constant 0 : i32
          %dma_wait3A_851 = tpu.memref_slice %arg3[%dma_wait3A_842, %dma_wait3A_849, %dma_wait3A_850] : memref<26x100000x32xf32, #tpu.memory_space<hbm>> -> memref<1x100000x32xf32, #tpu.memory_space<hbm>>
          %dma_wait3A_852 = tpu.memref_squeeze %dma_wait3A_851 : memref<1x100000x32xf32, #tpu.memory_space<hbm>> -> memref<100000x32xf32, #tpu.memory_space<hbm>>
          %dma_wait3A_853 = arith.constant 0 : i32
          %dma_wait3A_854 = arith.constant 0 : i32
          %dma_wait3A_855 = tpu.memref_slice %dma_wait3A_852[%dma_wait3A_853, %dma_wait3A_854] : memref<100000x32xf32, #tpu.memory_space<hbm>> -> memref<128x32xf32, #tpu.memory_space<hbm>>
          %dma_wait3A_856 = tpu.memref_slice %arg8[%dma_wait3A_844] : memref<8x!tpu.dma_semaphore, #tpu.memory_space<semaphore_mem>> -> memref<1x!tpu.dma_semaphore, #tpu.memory_space<semaphore_mem>>
          %dma_wait3A_857 = tpu.memref_squeeze %dma_wait3A_856 : memref<1x!tpu.dma_semaphore, #tpu.memory_space<semaphore_mem>> -> memref<!tpu.dma_semaphore, #tpu.memory_space<semaphore_mem>>
          %dma_wait3A_858 = arith.constant 0 : i32
          %dma_wait3A_859 = arith.constant 0 : i32
          %dma_wait3A_860 = tpu.memref_slice %arg6[%dma_wait3A_843, %dma_wait3A_858, %dma_wait3A_859] : memref<8x128x32xf32, #tpu.memory_space<vmem>> -> memref<1x128x32xf32, #tpu.memory_space<vmem>>
          %dma_wait3A_861 = tpu.memref_squeeze %dma_wait3A_860 : memref<1x128x32xf32, #tpu.memory_space<vmem>> -> memref<128x32xf32, #tpu.memory_space<vmem>>
          %dma_wait3A_862 = arith.constant 0 : i32
          %dma_wait3A_863 = arith.constant 0 : i32
          %dma_wait3A_864 = tpu.memref_slice %arg3[%dma_wait3A_842, %dma_wait3A_862, %dma_wait3A_863] : memref<26x100000x32xf32, #tpu.memory_space<hbm>> -> memref<1x100000x32xf32, #tpu.memory_space<hbm>>
          %dma_wait3A_865 = tpu.memref_squeeze %dma_wait3A_864 : memref<1x100000x32xf32, #tpu.memory_space<hbm>> -> memref<100000x32xf32, #tpu.memory_space<hbm>>
          %dma_wait3A_866 = arith.constant 0 : i32
          %dma_wait3A_867 = arith.constant 0 : i32
          %dma_wait3A_868 = tpu.memref_slice %dma_wait3A_865[%dma_wait3A_866, %dma_wait3A_867] : memref<100000x32xf32, #tpu.memory_space<hbm>> -> memref<128x32xf32, #tpu.memory_space<hbm>>
          tpu.wait_dma2 semaphore(%dma_wait3A_857 : memref<!tpu.dma_semaphore, #tpu.memory_space<semaphore_mem>>) src(%dma_wait3A_868 : memref<128x32xf32, #tpu.memory_space<hbm>>) dst(%dma_wait3A_861 : memref<128x32xf32, #tpu.memory_space<vmem>>)
        } else {
        }
        %shift_right_logical3A_816 = arith.constant 2 : i32
        %shift_right_logical3A_817 = arith.shrui %add3A_446, %shift_right_logical3A_816 : i32
        %and3A_818 = arith.constant 3 : i32
        %and3A_819 = arith.andi %add3A_446, %and3A_818 : i32
        %shift_right_logical3A_820 = arith.constant 3 : i32
        %shift_right_logical3A_821 = arith.shrui %shift_right_logical3A_817, %shift_right_logical3A_820 : i32
        %and3A_822 = arith.constant 7 : i32
        %and3A_823 = arith.andi %shift_right_logical3A_817, %and3A_822 : i32
        %dma_start3A_824 = arith.constant 5 : i32
        %dma_start3A_825 = arith.constant 5 : i32
        %dma_start3A_826 = arith.constant 0 : i32
        %dma_start3A_827 = arith.constant 0 : i32
        %dma_start3A_828 = tpu.memref_slice %arg6[%dma_start3A_824, %dma_start3A_826, %dma_start3A_827] : memref<8x128x32xf32, #tpu.memory_space<vmem>> -> memref<1x128x32xf32, #tpu.memory_space<vmem>>
        %dma_start3A_829 = tpu.memref_squeeze %dma_start3A_828 : memref<1x128x32xf32, #tpu.memory_space<vmem>> -> memref<128x32xf32, #tpu.memory_space<vmem>>
        %dma_start3A_830 = arith.constant 0 : i32
        %dma_start3A_831 = tpu.memref_slice %arg5[%shift_right_logical3A_821, %and3A_819, %and3A_823, %dma_start3A_830] : memref<4x4x8x128xi32, #tpu.memory_space<vmem>> -> memref<1x1x1x128xi32, #tpu.memory_space<vmem>>
        %dma_start3A_832 = tpu.memref_squeeze %dma_start3A_831 : memref<1x1x1x128xi32, #tpu.memory_space<vmem>> -> memref<128xi32, #tpu.memory_space<vmem>>
        %dma_start3A_833 = arith.constant 0 : i32
        %dma_start3A_834 = arith.constant 0 : i32
        %dma_start3A_835 = tpu.memref_slice %arg3[%shift_right_logical3A_817, %dma_start3A_833, %dma_start3A_834] : memref<26x100000x32xf32, #tpu.memory_space<hbm>> -> memref<1x100000x32xf32, #tpu.memory_space<hbm>>
        %dma_start3A_836 = tpu.memref_squeeze %dma_start3A_835 : memref<1x100000x32xf32, #tpu.memory_space<hbm>> -> memref<100000x32xf32, #tpu.memory_space<hbm>>
        %dma_start3A_837 = arith.constant 0 : i32
        %dma_start3A_838 = arith.constant 0 : i32
        %dma_start3A_839 = tpu.memref_slice %dma_start3A_836[%dma_start3A_837, %dma_start3A_838] : memref<100000x32xf32, #tpu.memory_space<hbm>> -> memref<100000x32xf32, #tpu.memory_space<hbm>>
        %dma_start3A_840 = tpu.memref_slice %arg7[%dma_start3A_825] : memref<8x!tpu.dma_semaphore, #tpu.memory_space<semaphore_mem>> -> memref<1x!tpu.dma_semaphore, #tpu.memory_space<semaphore_mem>>
        %dma_start3A_841 = tpu.memref_squeeze %dma_start3A_840 : memref<1x!tpu.dma_semaphore, #tpu.memory_space<semaphore_mem>> -> memref<!tpu.dma_semaphore, #tpu.memory_space<semaphore_mem>>
        tpu.enqueue_indirect_dma source(%dma_start3A_839 : memref<100000x32xf32, #tpu.memory_space<hbm>>) target(%dma_start3A_829 : memref<128x32xf32, #tpu.memory_space<vmem>>) offsets(%dma_start3A_832 : memref<128xi32, #tpu.memory_space<vmem>>) semaphore(%dma_start3A_841 : memref<!tpu.dma_semaphore, #tpu.memory_space<semaphore_mem>>)
      } else {
      }
      %mul3A_452 = arith.constant 8 : i32
      %mul3A_453 = arith.muli %scan3A_334, %mul3A_452 : i32
      %add3A_454 = arith.constant 2 : i32
      %add3A_455 = arith.addi %mul3A_453, %add3A_454 : i32
      %dma_wait3A_456 = arith.constant 0 : i32
      %dma_wait3A_457 = arith.constant 2 : i32
      %dma_wait3A_458 = arith.constant 2 : i32
      %dma_wait3A_459 = arith.constant 0 : i32
      %dma_wait3A_460 = arith.constant 0 : i32
      %dma_wait3A_461 = tpu.memref_slice %arg6[%dma_wait3A_457, %dma_wait3A_459, %dma_wait3A_460] : memref<8x128x32xf32, #tpu.memory_space<vmem>> -> memref<1x128x32xf32, #tpu.memory_space<vmem>>
      %dma_wait3A_462 = tpu.memref_squeeze %dma_wait3A_461 : memref<1x128x32xf32, #tpu.memory_space<vmem>> -> memref<128x32xf32, #tpu.memory_space<vmem>>
      %dma_wait3A_463 = arith.constant 0 : i32
      %dma_wait3A_464 = arith.constant 0 : i32
      %dma_wait3A_465 = tpu.memref_slice %arg3[%dma_wait3A_456, %dma_wait3A_463, %dma_wait3A_464] : memref<26x100000x32xf32, #tpu.memory_space<hbm>> -> memref<1x100000x32xf32, #tpu.memory_space<hbm>>
      %dma_wait3A_466 = tpu.memref_squeeze %dma_wait3A_465 : memref<1x100000x32xf32, #tpu.memory_space<hbm>> -> memref<100000x32xf32, #tpu.memory_space<hbm>>
      %dma_wait3A_467 = arith.constant 0 : i32
      %dma_wait3A_468 = arith.constant 0 : i32
      %dma_wait3A_469 = tpu.memref_slice %dma_wait3A_466[%dma_wait3A_467, %dma_wait3A_468] : memref<100000x32xf32, #tpu.memory_space<hbm>> -> memref<128x32xf32, #tpu.memory_space<hbm>>
      %dma_wait3A_470 = tpu.memref_slice %arg7[%dma_wait3A_458] : memref<8x!tpu.dma_semaphore, #tpu.memory_space<semaphore_mem>> -> memref<1x!tpu.dma_semaphore, #tpu.memory_space<semaphore_mem>>
      %dma_wait3A_471 = tpu.memref_squeeze %dma_wait3A_470 : memref<1x!tpu.dma_semaphore, #tpu.memory_space<semaphore_mem>> -> memref<!tpu.dma_semaphore, #tpu.memory_space<semaphore_mem>>
      %dma_wait3A_472 = arith.constant 0 : i32
      %dma_wait3A_473 = arith.constant 0 : i32
      %dma_wait3A_474 = tpu.memref_slice %arg6[%dma_wait3A_457, %dma_wait3A_472, %dma_wait3A_473] : memref<8x128x32xf32, #tpu.memory_space<vmem>> -> memref<1x128x32xf32, #tpu.memory_space<vmem>>
      %dma_wait3A_475 = tpu.memref_squeeze %dma_wait3A_474 : memref<1x128x32xf32, #tpu.memory_space<vmem>> -> memref<128x32xf32, #tpu.memory_space<vmem>>
      %dma_wait3A_476 = arith.constant 0 : i32
      %dma_wait3A_477 = arith.constant 0 : i32
      %dma_wait3A_478 = tpu.memref_slice %arg3[%dma_wait3A_456, %dma_wait3A_476, %dma_wait3A_477] : memref<26x100000x32xf32, #tpu.memory_space<hbm>> -> memref<1x100000x32xf32, #tpu.memory_space<hbm>>
      %dma_wait3A_479 = tpu.memref_squeeze %dma_wait3A_478 : memref<1x100000x32xf32, #tpu.memory_space<hbm>> -> memref<100000x32xf32, #tpu.memory_space<hbm>>
      %dma_wait3A_480 = arith.constant 0 : i32
      %dma_wait3A_481 = arith.constant 0 : i32
      %dma_wait3A_482 = tpu.memref_slice %dma_wait3A_479[%dma_wait3A_480, %dma_wait3A_481] : memref<100000x32xf32, #tpu.memory_space<hbm>> -> memref<128x32xf32, #tpu.memory_space<hbm>>
      tpu.wait_dma2 semaphore(%dma_wait3A_471 : memref<!tpu.dma_semaphore, #tpu.memory_space<semaphore_mem>>) src(%dma_wait3A_482 : memref<128x32xf32, #tpu.memory_space<hbm>>) dst(%dma_wait3A_475 : memref<128x32xf32, #tpu.memory_space<vmem>>)
      %shift_right_logical3A_483 = arith.constant 2 : i32
      %shift_right_logical3A_484 = arith.shrui %add3A_455, %shift_right_logical3A_483 : i32
      %and3A_485 = arith.constant 3 : i32
      %and3A_486 = arith.andi %add3A_455, %and3A_485 : i32
      %mul3A_487 = arith.constant 128 : i32
      %mul3A_488 = arith.muli %and3A_486, %mul3A_487 : i32
      %add3A_489 = arith.addi %mul3A_2, %mul3A_488 : i32
      %dma_start3A_490 = arith.constant 2 : i32
      %dma_start3A_491 = arith.constant 2 : i32
      %dma_start3A_492 = arith.constant 0 : i32
      %dma_start3A_493 = arith.constant 0 : i32
      %dma_start3A_494 = tpu.memref_slice %arg6[%dma_start3A_491, %dma_start3A_492, %dma_start3A_493] : memref<8x128x32xf32, #tpu.memory_space<vmem>> -> memref<1x128x32xf32, #tpu.memory_space<vmem>>
      %dma_start3A_495 = arith.constant 0 : i32
      %dma_start3A_496 = tpu.memref_slice %arg4[%shift_right_logical3A_484, %add3A_489, %dma_start3A_495] : memref<26x16384x32xf32, #tpu.memory_space<hbm>> -> memref<1x128x32xf32, #tpu.memory_space<hbm>>
      %dma_start3A_497 = tpu.memref_slice %arg8[%dma_start3A_490] : memref<8x!tpu.dma_semaphore, #tpu.memory_space<semaphore_mem>> -> memref<1x!tpu.dma_semaphore, #tpu.memory_space<semaphore_mem>>
      %dma_start3A_498 = tpu.memref_squeeze %dma_start3A_497 : memref<1x!tpu.dma_semaphore, #tpu.memory_space<semaphore_mem>> -> memref<!tpu.dma_semaphore, #tpu.memory_space<semaphore_mem>>
      %dma_start3A_499 = arith.constant 0 : i32
      %dma_start3A_500 = tpu.memref_slice %arg4[%shift_right_logical3A_484, %add3A_489, %dma_start3A_499] : memref<26x16384x32xf32, #tpu.memory_space<hbm>> -> memref<1x128x32xf32, #tpu.memory_space<hbm>>
      %dma_start3A_501 = arith.constant 2 : i32
      %dma_start3A_502 = arith.constant 0 : i32
      %dma_start3A_503 = arith.constant 0 : i32
      %dma_start3A_504 = tpu.memref_slice %arg6[%dma_start3A_501, %dma_start3A_502, %dma_start3A_503] : memref<8x128x32xf32, #tpu.memory_space<vmem>> -> memref<1x128x32xf32, #tpu.memory_space<vmem>>
      tpu.enqueue_dma source(%dma_start3A_504 : memref<1x128x32xf32, #tpu.memory_space<vmem>>) target(%dma_start3A_500 : memref<1x128x32xf32, #tpu.memory_space<hbm>>) target_semaphore(%dma_start3A_498 : memref<!tpu.dma_semaphore, #tpu.memory_space<semaphore_mem>>)
      %add3A_505 = arith.constant 4 : i32
      %add3A_506 = arith.addi %add3A_455, %add3A_505 : i32
      %lt3A_507 = arith.constant 104 : i32
      %lt3A_508 = arith.cmpi slt, %add3A_506, %lt3A_507 : i32
      %convert_element_type3A_509 = arith.extui %lt3A_508 : i1 to i32
      %cond3A_510 = arith.constant 0 : i32
      %cond3A_511 = arith.cmpi ne, %convert_element_type3A_509, %cond3A_510 : i32
      scf.if %cond3A_511 {
        %ge3A = arith.constant 8 : i32
        %ge3A_812 = arith.cmpi sge, %add3A_506, %ge3A : i32
        %convert_element_type3A_813 = arith.extui %ge3A_812 : i1 to i32
        %cond3A_814 = arith.constant 0 : i32
        %cond3A_815 = arith.cmpi ne, %convert_element_type3A_813, %cond3A_814 : i32
        scf.if %cond3A_815 {
          %dma_wait3A_842 = arith.constant 0 : i32
          %dma_wait3A_843 = arith.constant 6 : i32
          %dma_wait3A_844 = arith.constant 6 : i32
          %dma_wait3A_845 = arith.constant 0 : i32
          %dma_wait3A_846 = arith.constant 0 : i32
          %dma_wait3A_847 = tpu.memref_slice %arg6[%dma_wait3A_843, %dma_wait3A_845, %dma_wait3A_846] : memref<8x128x32xf32, #tpu.memory_space<vmem>> -> memref<1x128x32xf32, #tpu.memory_space<vmem>>
          %dma_wait3A_848 = tpu.memref_squeeze %dma_wait3A_847 : memref<1x128x32xf32, #tpu.memory_space<vmem>> -> memref<128x32xf32, #tpu.memory_space<vmem>>
          %dma_wait3A_849 = arith.constant 0 : i32
          %dma_wait3A_850 = arith.constant 0 : i32
          %dma_wait3A_851 = tpu.memref_slice %arg3[%dma_wait3A_842, %dma_wait3A_849, %dma_wait3A_850] : memref<26x100000x32xf32, #tpu.memory_space<hbm>> -> memref<1x100000x32xf32, #tpu.memory_space<hbm>>
          %dma_wait3A_852 = tpu.memref_squeeze %dma_wait3A_851 : memref<1x100000x32xf32, #tpu.memory_space<hbm>> -> memref<100000x32xf32, #tpu.memory_space<hbm>>
          %dma_wait3A_853 = arith.constant 0 : i32
          %dma_wait3A_854 = arith.constant 0 : i32
          %dma_wait3A_855 = tpu.memref_slice %dma_wait3A_852[%dma_wait3A_853, %dma_wait3A_854] : memref<100000x32xf32, #tpu.memory_space<hbm>> -> memref<128x32xf32, #tpu.memory_space<hbm>>
          %dma_wait3A_856 = tpu.memref_slice %arg8[%dma_wait3A_844] : memref<8x!tpu.dma_semaphore, #tpu.memory_space<semaphore_mem>> -> memref<1x!tpu.dma_semaphore, #tpu.memory_space<semaphore_mem>>
          %dma_wait3A_857 = tpu.memref_squeeze %dma_wait3A_856 : memref<1x!tpu.dma_semaphore, #tpu.memory_space<semaphore_mem>> -> memref<!tpu.dma_semaphore, #tpu.memory_space<semaphore_mem>>
          %dma_wait3A_858 = arith.constant 0 : i32
          %dma_wait3A_859 = arith.constant 0 : i32
          %dma_wait3A_860 = tpu.memref_slice %arg6[%dma_wait3A_843, %dma_wait3A_858, %dma_wait3A_859] : memref<8x128x32xf32, #tpu.memory_space<vmem>> -> memref<1x128x32xf32, #tpu.memory_space<vmem>>
          %dma_wait3A_861 = tpu.memref_squeeze %dma_wait3A_860 : memref<1x128x32xf32, #tpu.memory_space<vmem>> -> memref<128x32xf32, #tpu.memory_space<vmem>>
          %dma_wait3A_862 = arith.constant 0 : i32
          %dma_wait3A_863 = arith.constant 0 : i32
          %dma_wait3A_864 = tpu.memref_slice %arg3[%dma_wait3A_842, %dma_wait3A_862, %dma_wait3A_863] : memref<26x100000x32xf32, #tpu.memory_space<hbm>> -> memref<1x100000x32xf32, #tpu.memory_space<hbm>>
          %dma_wait3A_865 = tpu.memref_squeeze %dma_wait3A_864 : memref<1x100000x32xf32, #tpu.memory_space<hbm>> -> memref<100000x32xf32, #tpu.memory_space<hbm>>
          %dma_wait3A_866 = arith.constant 0 : i32
          %dma_wait3A_867 = arith.constant 0 : i32
          %dma_wait3A_868 = tpu.memref_slice %dma_wait3A_865[%dma_wait3A_866, %dma_wait3A_867] : memref<100000x32xf32, #tpu.memory_space<hbm>> -> memref<128x32xf32, #tpu.memory_space<hbm>>
          tpu.wait_dma2 semaphore(%dma_wait3A_857 : memref<!tpu.dma_semaphore, #tpu.memory_space<semaphore_mem>>) src(%dma_wait3A_868 : memref<128x32xf32, #tpu.memory_space<hbm>>) dst(%dma_wait3A_861 : memref<128x32xf32, #tpu.memory_space<vmem>>)
        } else {
        }
        %shift_right_logical3A_816 = arith.constant 2 : i32
        %shift_right_logical3A_817 = arith.shrui %add3A_506, %shift_right_logical3A_816 : i32
        %and3A_818 = arith.constant 3 : i32
        %and3A_819 = arith.andi %add3A_506, %and3A_818 : i32
        %shift_right_logical3A_820 = arith.constant 3 : i32
        %shift_right_logical3A_821 = arith.shrui %shift_right_logical3A_817, %shift_right_logical3A_820 : i32
        %and3A_822 = arith.constant 7 : i32
        %and3A_823 = arith.andi %shift_right_logical3A_817, %and3A_822 : i32
        %dma_start3A_824 = arith.constant 6 : i32
        %dma_start3A_825 = arith.constant 6 : i32
        %dma_start3A_826 = arith.constant 0 : i32
        %dma_start3A_827 = arith.constant 0 : i32
        %dma_start3A_828 = tpu.memref_slice %arg6[%dma_start3A_824, %dma_start3A_826, %dma_start3A_827] : memref<8x128x32xf32, #tpu.memory_space<vmem>> -> memref<1x128x32xf32, #tpu.memory_space<vmem>>
        %dma_start3A_829 = tpu.memref_squeeze %dma_start3A_828 : memref<1x128x32xf32, #tpu.memory_space<vmem>> -> memref<128x32xf32, #tpu.memory_space<vmem>>
        %dma_start3A_830 = arith.constant 0 : i32
        %dma_start3A_831 = tpu.memref_slice %arg5[%shift_right_logical3A_821, %and3A_819, %and3A_823, %dma_start3A_830] : memref<4x4x8x128xi32, #tpu.memory_space<vmem>> -> memref<1x1x1x128xi32, #tpu.memory_space<vmem>>
        %dma_start3A_832 = tpu.memref_squeeze %dma_start3A_831 : memref<1x1x1x128xi32, #tpu.memory_space<vmem>> -> memref<128xi32, #tpu.memory_space<vmem>>
        %dma_start3A_833 = arith.constant 0 : i32
        %dma_start3A_834 = arith.constant 0 : i32
        %dma_start3A_835 = tpu.memref_slice %arg3[%shift_right_logical3A_817, %dma_start3A_833, %dma_start3A_834] : memref<26x100000x32xf32, #tpu.memory_space<hbm>> -> memref<1x100000x32xf32, #tpu.memory_space<hbm>>
        %dma_start3A_836 = tpu.memref_squeeze %dma_start3A_835 : memref<1x100000x32xf32, #tpu.memory_space<hbm>> -> memref<100000x32xf32, #tpu.memory_space<hbm>>
        %dma_start3A_837 = arith.constant 0 : i32
        %dma_start3A_838 = arith.constant 0 : i32
        %dma_start3A_839 = tpu.memref_slice %dma_start3A_836[%dma_start3A_837, %dma_start3A_838] : memref<100000x32xf32, #tpu.memory_space<hbm>> -> memref<100000x32xf32, #tpu.memory_space<hbm>>
        %dma_start3A_840 = tpu.memref_slice %arg7[%dma_start3A_825] : memref<8x!tpu.dma_semaphore, #tpu.memory_space<semaphore_mem>> -> memref<1x!tpu.dma_semaphore, #tpu.memory_space<semaphore_mem>>
        %dma_start3A_841 = tpu.memref_squeeze %dma_start3A_840 : memref<1x!tpu.dma_semaphore, #tpu.memory_space<semaphore_mem>> -> memref<!tpu.dma_semaphore, #tpu.memory_space<semaphore_mem>>
        tpu.enqueue_indirect_dma source(%dma_start3A_839 : memref<100000x32xf32, #tpu.memory_space<hbm>>) target(%dma_start3A_829 : memref<128x32xf32, #tpu.memory_space<vmem>>) offsets(%dma_start3A_832 : memref<128xi32, #tpu.memory_space<vmem>>) semaphore(%dma_start3A_841 : memref<!tpu.dma_semaphore, #tpu.memory_space<semaphore_mem>>)
      } else {
      }
      %mul3A_512 = arith.constant 8 : i32
      %mul3A_513 = arith.muli %scan3A_334, %mul3A_512 : i32
      %add3A_514 = arith.constant 3 : i32
      %add3A_515 = arith.addi %mul3A_513, %add3A_514 : i32
      %dma_wait3A_516 = arith.constant 0 : i32
      %dma_wait3A_517 = arith.constant 3 : i32
      %dma_wait3A_518 = arith.constant 3 : i32
      %dma_wait3A_519 = arith.constant 0 : i32
      %dma_wait3A_520 = arith.constant 0 : i32
      %dma_wait3A_521 = tpu.memref_slice %arg6[%dma_wait3A_517, %dma_wait3A_519, %dma_wait3A_520] : memref<8x128x32xf32, #tpu.memory_space<vmem>> -> memref<1x128x32xf32, #tpu.memory_space<vmem>>
      %dma_wait3A_522 = tpu.memref_squeeze %dma_wait3A_521 : memref<1x128x32xf32, #tpu.memory_space<vmem>> -> memref<128x32xf32, #tpu.memory_space<vmem>>
      %dma_wait3A_523 = arith.constant 0 : i32
      %dma_wait3A_524 = arith.constant 0 : i32
      %dma_wait3A_525 = tpu.memref_slice %arg3[%dma_wait3A_516, %dma_wait3A_523, %dma_wait3A_524] : memref<26x100000x32xf32, #tpu.memory_space<hbm>> -> memref<1x100000x32xf32, #tpu.memory_space<hbm>>
      %dma_wait3A_526 = tpu.memref_squeeze %dma_wait3A_525 : memref<1x100000x32xf32, #tpu.memory_space<hbm>> -> memref<100000x32xf32, #tpu.memory_space<hbm>>
      %dma_wait3A_527 = arith.constant 0 : i32
      %dma_wait3A_528 = arith.constant 0 : i32
      %dma_wait3A_529 = tpu.memref_slice %dma_wait3A_526[%dma_wait3A_527, %dma_wait3A_528] : memref<100000x32xf32, #tpu.memory_space<hbm>> -> memref<128x32xf32, #tpu.memory_space<hbm>>
      %dma_wait3A_530 = tpu.memref_slice %arg7[%dma_wait3A_518] : memref<8x!tpu.dma_semaphore, #tpu.memory_space<semaphore_mem>> -> memref<1x!tpu.dma_semaphore, #tpu.memory_space<semaphore_mem>>
      %dma_wait3A_531 = tpu.memref_squeeze %dma_wait3A_530 : memref<1x!tpu.dma_semaphore, #tpu.memory_space<semaphore_mem>> -> memref<!tpu.dma_semaphore, #tpu.memory_space<semaphore_mem>>
      %dma_wait3A_532 = arith.constant 0 : i32
      %dma_wait3A_533 = arith.constant 0 : i32
      %dma_wait3A_534 = tpu.memref_slice %arg6[%dma_wait3A_517, %dma_wait3A_532, %dma_wait3A_533] : memref<8x128x32xf32, #tpu.memory_space<vmem>> -> memref<1x128x32xf32, #tpu.memory_space<vmem>>
      %dma_wait3A_535 = tpu.memref_squeeze %dma_wait3A_534 : memref<1x128x32xf32, #tpu.memory_space<vmem>> -> memref<128x32xf32, #tpu.memory_space<vmem>>
      %dma_wait3A_536 = arith.constant 0 : i32
      %dma_wait3A_537 = arith.constant 0 : i32
      %dma_wait3A_538 = tpu.memref_slice %arg3[%dma_wait3A_516, %dma_wait3A_536, %dma_wait3A_537] : memref<26x100000x32xf32, #tpu.memory_space<hbm>> -> memref<1x100000x32xf32, #tpu.memory_space<hbm>>
      %dma_wait3A_539 = tpu.memref_squeeze %dma_wait3A_538 : memref<1x100000x32xf32, #tpu.memory_space<hbm>> -> memref<100000x32xf32, #tpu.memory_space<hbm>>
      %dma_wait3A_540 = arith.constant 0 : i32
      %dma_wait3A_541 = arith.constant 0 : i32
      %dma_wait3A_542 = tpu.memref_slice %dma_wait3A_539[%dma_wait3A_540, %dma_wait3A_541] : memref<100000x32xf32, #tpu.memory_space<hbm>> -> memref<128x32xf32, #tpu.memory_space<hbm>>
      tpu.wait_dma2 semaphore(%dma_wait3A_531 : memref<!tpu.dma_semaphore, #tpu.memory_space<semaphore_mem>>) src(%dma_wait3A_542 : memref<128x32xf32, #tpu.memory_space<hbm>>) dst(%dma_wait3A_535 : memref<128x32xf32, #tpu.memory_space<vmem>>)
      %shift_right_logical3A_543 = arith.constant 2 : i32
      %shift_right_logical3A_544 = arith.shrui %add3A_515, %shift_right_logical3A_543 : i32
      %and3A_545 = arith.constant 3 : i32
      %and3A_546 = arith.andi %add3A_515, %and3A_545 : i32
      %mul3A_547 = arith.constant 128 : i32
      %mul3A_548 = arith.muli %and3A_546, %mul3A_547 : i32
      %add3A_549 = arith.addi %mul3A_2, %mul3A_548 : i32
      %dma_start3A_550 = arith.constant 3 : i32
      %dma_start3A_551 = arith.constant 3 : i32
      %dma_start3A_552 = arith.constant 0 : i32
      %dma_start3A_553 = arith.constant 0 : i32
      %dma_start3A_554 = tpu.memref_slice %arg6[%dma_start3A_551, %dma_start3A_552, %dma_start3A_553] : memref<8x128x32xf32, #tpu.memory_space<vmem>> -> memref<1x128x32xf32, #tpu.memory_space<vmem>>
      %dma_start3A_555 = arith.constant 0 : i32
      %dma_start3A_556 = tpu.memref_slice %arg4[%shift_right_logical3A_544, %add3A_549, %dma_start3A_555] : memref<26x16384x32xf32, #tpu.memory_space<hbm>> -> memref<1x128x32xf32, #tpu.memory_space<hbm>>
      %dma_start3A_557 = tpu.memref_slice %arg8[%dma_start3A_550] : memref<8x!tpu.dma_semaphore, #tpu.memory_space<semaphore_mem>> -> memref<1x!tpu.dma_semaphore, #tpu.memory_space<semaphore_mem>>
      %dma_start3A_558 = tpu.memref_squeeze %dma_start3A_557 : memref<1x!tpu.dma_semaphore, #tpu.memory_space<semaphore_mem>> -> memref<!tpu.dma_semaphore, #tpu.memory_space<semaphore_mem>>
      %dma_start3A_559 = arith.constant 0 : i32
      %dma_start3A_560 = tpu.memref_slice %arg4[%shift_right_logical3A_544, %add3A_549, %dma_start3A_559] : memref<26x16384x32xf32, #tpu.memory_space<hbm>> -> memref<1x128x32xf32, #tpu.memory_space<hbm>>
      %dma_start3A_561 = arith.constant 3 : i32
      %dma_start3A_562 = arith.constant 0 : i32
      %dma_start3A_563 = arith.constant 0 : i32
      %dma_start3A_564 = tpu.memref_slice %arg6[%dma_start3A_561, %dma_start3A_562, %dma_start3A_563] : memref<8x128x32xf32, #tpu.memory_space<vmem>> -> memref<1x128x32xf32, #tpu.memory_space<vmem>>
      tpu.enqueue_dma source(%dma_start3A_564 : memref<1x128x32xf32, #tpu.memory_space<vmem>>) target(%dma_start3A_560 : memref<1x128x32xf32, #tpu.memory_space<hbm>>) target_semaphore(%dma_start3A_558 : memref<!tpu.dma_semaphore, #tpu.memory_space<semaphore_mem>>)
      %add3A_565 = arith.constant 4 : i32
      %add3A_566 = arith.addi %add3A_515, %add3A_565 : i32
      %lt3A_567 = arith.constant 104 : i32
      %lt3A_568 = arith.cmpi slt, %add3A_566, %lt3A_567 : i32
      %convert_element_type3A_569 = arith.extui %lt3A_568 : i1 to i32
      %cond3A_570 = arith.constant 0 : i32
      %cond3A_571 = arith.cmpi ne, %convert_element_type3A_569, %cond3A_570 : i32
      scf.if %cond3A_571 {
        %ge3A = arith.constant 8 : i32
        %ge3A_812 = arith.cmpi sge, %add3A_566, %ge3A : i32
        %convert_element_type3A_813 = arith.extui %ge3A_812 : i1 to i32
        %cond3A_814 = arith.constant 0 : i32
        %cond3A_815 = arith.cmpi ne, %convert_element_type3A_813, %cond3A_814 : i32
        scf.if %cond3A_815 {
          %dma_wait3A_842 = arith.constant 0 : i32
          %dma_wait3A_843 = arith.constant 7 : i32
          %dma_wait3A_844 = arith.constant 7 : i32
          %dma_wait3A_845 = arith.constant 0 : i32
          %dma_wait3A_846 = arith.constant 0 : i32
          %dma_wait3A_847 = tpu.memref_slice %arg6[%dma_wait3A_843, %dma_wait3A_845, %dma_wait3A_846] : memref<8x128x32xf32, #tpu.memory_space<vmem>> -> memref<1x128x32xf32, #tpu.memory_space<vmem>>
          %dma_wait3A_848 = tpu.memref_squeeze %dma_wait3A_847 : memref<1x128x32xf32, #tpu.memory_space<vmem>> -> memref<128x32xf32, #tpu.memory_space<vmem>>
          %dma_wait3A_849 = arith.constant 0 : i32
          %dma_wait3A_850 = arith.constant 0 : i32
          %dma_wait3A_851 = tpu.memref_slice %arg3[%dma_wait3A_842, %dma_wait3A_849, %dma_wait3A_850] : memref<26x100000x32xf32, #tpu.memory_space<hbm>> -> memref<1x100000x32xf32, #tpu.memory_space<hbm>>
          %dma_wait3A_852 = tpu.memref_squeeze %dma_wait3A_851 : memref<1x100000x32xf32, #tpu.memory_space<hbm>> -> memref<100000x32xf32, #tpu.memory_space<hbm>>
          %dma_wait3A_853 = arith.constant 0 : i32
          %dma_wait3A_854 = arith.constant 0 : i32
          %dma_wait3A_855 = tpu.memref_slice %dma_wait3A_852[%dma_wait3A_853, %dma_wait3A_854] : memref<100000x32xf32, #tpu.memory_space<hbm>> -> memref<128x32xf32, #tpu.memory_space<hbm>>
          %dma_wait3A_856 = tpu.memref_slice %arg8[%dma_wait3A_844] : memref<8x!tpu.dma_semaphore, #tpu.memory_space<semaphore_mem>> -> memref<1x!tpu.dma_semaphore, #tpu.memory_space<semaphore_mem>>
          %dma_wait3A_857 = tpu.memref_squeeze %dma_wait3A_856 : memref<1x!tpu.dma_semaphore, #tpu.memory_space<semaphore_mem>> -> memref<!tpu.dma_semaphore, #tpu.memory_space<semaphore_mem>>
          %dma_wait3A_858 = arith.constant 0 : i32
          %dma_wait3A_859 = arith.constant 0 : i32
          %dma_wait3A_860 = tpu.memref_slice %arg6[%dma_wait3A_843, %dma_wait3A_858, %dma_wait3A_859] : memref<8x128x32xf32, #tpu.memory_space<vmem>> -> memref<1x128x32xf32, #tpu.memory_space<vmem>>
          %dma_wait3A_861 = tpu.memref_squeeze %dma_wait3A_860 : memref<1x128x32xf32, #tpu.memory_space<vmem>> -> memref<128x32xf32, #tpu.memory_space<vmem>>
          %dma_wait3A_862 = arith.constant 0 : i32
          %dma_wait3A_863 = arith.constant 0 : i32
          %dma_wait3A_864 = tpu.memref_slice %arg3[%dma_wait3A_842, %dma_wait3A_862, %dma_wait3A_863] : memref<26x100000x32xf32, #tpu.memory_space<hbm>> -> memref<1x100000x32xf32, #tpu.memory_space<hbm>>
          %dma_wait3A_865 = tpu.memref_squeeze %dma_wait3A_864 : memref<1x100000x32xf32, #tpu.memory_space<hbm>> -> memref<100000x32xf32, #tpu.memory_space<hbm>>
          %dma_wait3A_866 = arith.constant 0 : i32
          %dma_wait3A_867 = arith.constant 0 : i32
          %dma_wait3A_868 = tpu.memref_slice %dma_wait3A_865[%dma_wait3A_866, %dma_wait3A_867] : memref<100000x32xf32, #tpu.memory_space<hbm>> -> memref<128x32xf32, #tpu.memory_space<hbm>>
          tpu.wait_dma2 semaphore(%dma_wait3A_857 : memref<!tpu.dma_semaphore, #tpu.memory_space<semaphore_mem>>) src(%dma_wait3A_868 : memref<128x32xf32, #tpu.memory_space<hbm>>) dst(%dma_wait3A_861 : memref<128x32xf32, #tpu.memory_space<vmem>>)
        } else {
        }
        %shift_right_logical3A_816 = arith.constant 2 : i32
        %shift_right_logical3A_817 = arith.shrui %add3A_566, %shift_right_logical3A_816 : i32
        %and3A_818 = arith.constant 3 : i32
        %and3A_819 = arith.andi %add3A_566, %and3A_818 : i32
        %shift_right_logical3A_820 = arith.constant 3 : i32
        %shift_right_logical3A_821 = arith.shrui %shift_right_logical3A_817, %shift_right_logical3A_820 : i32
        %and3A_822 = arith.constant 7 : i32
        %and3A_823 = arith.andi %shift_right_logical3A_817, %and3A_822 : i32
        %dma_start3A_824 = arith.constant 7 : i32
        %dma_start3A_825 = arith.constant 7 : i32
        %dma_start3A_826 = arith.constant 0 : i32
        %dma_start3A_827 = arith.constant 0 : i32
        %dma_start3A_828 = tpu.memref_slice %arg6[%dma_start3A_824, %dma_start3A_826, %dma_start3A_827] : memref<8x128x32xf32, #tpu.memory_space<vmem>> -> memref<1x128x32xf32, #tpu.memory_space<vmem>>
        %dma_start3A_829 = tpu.memref_squeeze %dma_start3A_828 : memref<1x128x32xf32, #tpu.memory_space<vmem>> -> memref<128x32xf32, #tpu.memory_space<vmem>>
        %dma_start3A_830 = arith.constant 0 : i32
        %dma_start3A_831 = tpu.memref_slice %arg5[%shift_right_logical3A_821, %and3A_819, %and3A_823, %dma_start3A_830] : memref<4x4x8x128xi32, #tpu.memory_space<vmem>> -> memref<1x1x1x128xi32, #tpu.memory_space<vmem>>
        %dma_start3A_832 = tpu.memref_squeeze %dma_start3A_831 : memref<1x1x1x128xi32, #tpu.memory_space<vmem>> -> memref<128xi32, #tpu.memory_space<vmem>>
        %dma_start3A_833 = arith.constant 0 : i32
        %dma_start3A_834 = arith.constant 0 : i32
        %dma_start3A_835 = tpu.memref_slice %arg3[%shift_right_logical3A_817, %dma_start3A_833, %dma_start3A_834] : memref<26x100000x32xf32, #tpu.memory_space<hbm>> -> memref<1x100000x32xf32, #tpu.memory_space<hbm>>
        %dma_start3A_836 = tpu.memref_squeeze %dma_start3A_835 : memref<1x100000x32xf32, #tpu.memory_space<hbm>> -> memref<100000x32xf32, #tpu.memory_space<hbm>>
        %dma_start3A_837 = arith.constant 0 : i32
        %dma_start3A_838 = arith.constant 0 : i32
        %dma_start3A_839 = tpu.memref_slice %dma_start3A_836[%dma_start3A_837, %dma_start3A_838] : memref<100000x32xf32, #tpu.memory_space<hbm>> -> memref<100000x32xf32, #tpu.memory_space<hbm>>
        %dma_start3A_840 = tpu.memref_slice %arg7[%dma_start3A_825] : memref<8x!tpu.dma_semaphore, #tpu.memory_space<semaphore_mem>> -> memref<1x!tpu.dma_semaphore, #tpu.memory_space<semaphore_mem>>
        %dma_start3A_841 = tpu.memref_squeeze %dma_start3A_840 : memref<1x!tpu.dma_semaphore, #tpu.memory_space<semaphore_mem>> -> memref<!tpu.dma_semaphore, #tpu.memory_space<semaphore_mem>>
        tpu.enqueue_indirect_dma source(%dma_start3A_839 : memref<100000x32xf32, #tpu.memory_space<hbm>>) target(%dma_start3A_829 : memref<128x32xf32, #tpu.memory_space<vmem>>) offsets(%dma_start3A_832 : memref<128xi32, #tpu.memory_space<vmem>>) semaphore(%dma_start3A_841 : memref<!tpu.dma_semaphore, #tpu.memory_space<semaphore_mem>>)
      } else {
      }
      %mul3A_572 = arith.constant 8 : i32
      %mul3A_573 = arith.muli %scan3A_334, %mul3A_572 : i32
      %add3A_574 = arith.constant 4 : i32
      %add3A_575 = arith.addi %mul3A_573, %add3A_574 : i32
      %dma_wait3A_576 = arith.constant 0 : i32
      %dma_wait3A_577 = arith.constant 4 : i32
      %dma_wait3A_578 = arith.constant 4 : i32
      %dma_wait3A_579 = arith.constant 0 : i32
      %dma_wait3A_580 = arith.constant 0 : i32
      %dma_wait3A_581 = tpu.memref_slice %arg6[%dma_wait3A_577, %dma_wait3A_579, %dma_wait3A_580] : memref<8x128x32xf32, #tpu.memory_space<vmem>> -> memref<1x128x32xf32, #tpu.memory_space<vmem>>
      %dma_wait3A_582 = tpu.memref_squeeze %dma_wait3A_581 : memref<1x128x32xf32, #tpu.memory_space<vmem>> -> memref<128x32xf32, #tpu.memory_space<vmem>>
      %dma_wait3A_583 = arith.constant 0 : i32
      %dma_wait3A_584 = arith.constant 0 : i32
      %dma_wait3A_585 = tpu.memref_slice %arg3[%dma_wait3A_576, %dma_wait3A_583, %dma_wait3A_584] : memref<26x100000x32xf32, #tpu.memory_space<hbm>> -> memref<1x100000x32xf32, #tpu.memory_space<hbm>>
      %dma_wait3A_586 = tpu.memref_squeeze %dma_wait3A_585 : memref<1x100000x32xf32, #tpu.memory_space<hbm>> -> memref<100000x32xf32, #tpu.memory_space<hbm>>
      %dma_wait3A_587 = arith.constant 0 : i32
      %dma_wait3A_588 = arith.constant 0 : i32
      %dma_wait3A_589 = tpu.memref_slice %dma_wait3A_586[%dma_wait3A_587, %dma_wait3A_588] : memref<100000x32xf32, #tpu.memory_space<hbm>> -> memref<128x32xf32, #tpu.memory_space<hbm>>
      %dma_wait3A_590 = tpu.memref_slice %arg7[%dma_wait3A_578] : memref<8x!tpu.dma_semaphore, #tpu.memory_space<semaphore_mem>> -> memref<1x!tpu.dma_semaphore, #tpu.memory_space<semaphore_mem>>
      %dma_wait3A_591 = tpu.memref_squeeze %dma_wait3A_590 : memref<1x!tpu.dma_semaphore, #tpu.memory_space<semaphore_mem>> -> memref<!tpu.dma_semaphore, #tpu.memory_space<semaphore_mem>>
      %dma_wait3A_592 = arith.constant 0 : i32
      %dma_wait3A_593 = arith.constant 0 : i32
      %dma_wait3A_594 = tpu.memref_slice %arg6[%dma_wait3A_577, %dma_wait3A_592, %dma_wait3A_593] : memref<8x128x32xf32, #tpu.memory_space<vmem>> -> memref<1x128x32xf32, #tpu.memory_space<vmem>>
      %dma_wait3A_595 = tpu.memref_squeeze %dma_wait3A_594 : memref<1x128x32xf32, #tpu.memory_space<vmem>> -> memref<128x32xf32, #tpu.memory_space<vmem>>
      %dma_wait3A_596 = arith.constant 0 : i32
      %dma_wait3A_597 = arith.constant 0 : i32
      %dma_wait3A_598 = tpu.memref_slice %arg3[%dma_wait3A_576, %dma_wait3A_596, %dma_wait3A_597] : memref<26x100000x32xf32, #tpu.memory_space<hbm>> -> memref<1x100000x32xf32, #tpu.memory_space<hbm>>
      %dma_wait3A_599 = tpu.memref_squeeze %dma_wait3A_598 : memref<1x100000x32xf32, #tpu.memory_space<hbm>> -> memref<100000x32xf32, #tpu.memory_space<hbm>>
      %dma_wait3A_600 = arith.constant 0 : i32
      %dma_wait3A_601 = arith.constant 0 : i32
      %dma_wait3A_602 = tpu.memref_slice %dma_wait3A_599[%dma_wait3A_600, %dma_wait3A_601] : memref<100000x32xf32, #tpu.memory_space<hbm>> -> memref<128x32xf32, #tpu.memory_space<hbm>>
      tpu.wait_dma2 semaphore(%dma_wait3A_591 : memref<!tpu.dma_semaphore, #tpu.memory_space<semaphore_mem>>) src(%dma_wait3A_602 : memref<128x32xf32, #tpu.memory_space<hbm>>) dst(%dma_wait3A_595 : memref<128x32xf32, #tpu.memory_space<vmem>>)
      %shift_right_logical3A_603 = arith.constant 2 : i32
      %shift_right_logical3A_604 = arith.shrui %add3A_575, %shift_right_logical3A_603 : i32
      %and3A_605 = arith.constant 3 : i32
      %and3A_606 = arith.andi %add3A_575, %and3A_605 : i32
      %mul3A_607 = arith.constant 128 : i32
      %mul3A_608 = arith.muli %and3A_606, %mul3A_607 : i32
      %add3A_609 = arith.addi %mul3A_2, %mul3A_608 : i32
      %dma_start3A_610 = arith.constant 4 : i32
      %dma_start3A_611 = arith.constant 4 : i32
      %dma_start3A_612 = arith.constant 0 : i32
      %dma_start3A_613 = arith.constant 0 : i32
      %dma_start3A_614 = tpu.memref_slice %arg6[%dma_start3A_611, %dma_start3A_612, %dma_start3A_613] : memref<8x128x32xf32, #tpu.memory_space<vmem>> -> memref<1x128x32xf32, #tpu.memory_space<vmem>>
      %dma_start3A_615 = arith.constant 0 : i32
      %dma_start3A_616 = tpu.memref_slice %arg4[%shift_right_logical3A_604, %add3A_609, %dma_start3A_615] : memref<26x16384x32xf32, #tpu.memory_space<hbm>> -> memref<1x128x32xf32, #tpu.memory_space<hbm>>
      %dma_start3A_617 = tpu.memref_slice %arg8[%dma_start3A_610] : memref<8x!tpu.dma_semaphore, #tpu.memory_space<semaphore_mem>> -> memref<1x!tpu.dma_semaphore, #tpu.memory_space<semaphore_mem>>
      %dma_start3A_618 = tpu.memref_squeeze %dma_start3A_617 : memref<1x!tpu.dma_semaphore, #tpu.memory_space<semaphore_mem>> -> memref<!tpu.dma_semaphore, #tpu.memory_space<semaphore_mem>>
      %dma_start3A_619 = arith.constant 0 : i32
      %dma_start3A_620 = tpu.memref_slice %arg4[%shift_right_logical3A_604, %add3A_609, %dma_start3A_619] : memref<26x16384x32xf32, #tpu.memory_space<hbm>> -> memref<1x128x32xf32, #tpu.memory_space<hbm>>
      %dma_start3A_621 = arith.constant 4 : i32
      %dma_start3A_622 = arith.constant 0 : i32
      %dma_start3A_623 = arith.constant 0 : i32
      %dma_start3A_624 = tpu.memref_slice %arg6[%dma_start3A_621, %dma_start3A_622, %dma_start3A_623] : memref<8x128x32xf32, #tpu.memory_space<vmem>> -> memref<1x128x32xf32, #tpu.memory_space<vmem>>
      tpu.enqueue_dma source(%dma_start3A_624 : memref<1x128x32xf32, #tpu.memory_space<vmem>>) target(%dma_start3A_620 : memref<1x128x32xf32, #tpu.memory_space<hbm>>) target_semaphore(%dma_start3A_618 : memref<!tpu.dma_semaphore, #tpu.memory_space<semaphore_mem>>)
      %add3A_625 = arith.constant 4 : i32
      %add3A_626 = arith.addi %add3A_575, %add3A_625 : i32
      %lt3A_627 = arith.constant 104 : i32
      %lt3A_628 = arith.cmpi slt, %add3A_626, %lt3A_627 : i32
      %convert_element_type3A_629 = arith.extui %lt3A_628 : i1 to i32
      %cond3A_630 = arith.constant 0 : i32
      %cond3A_631 = arith.cmpi ne, %convert_element_type3A_629, %cond3A_630 : i32
      scf.if %cond3A_631 {
        %ge3A = arith.constant 8 : i32
        %ge3A_812 = arith.cmpi sge, %add3A_626, %ge3A : i32
        %convert_element_type3A_813 = arith.extui %ge3A_812 : i1 to i32
        %cond3A_814 = arith.constant 0 : i32
        %cond3A_815 = arith.cmpi ne, %convert_element_type3A_813, %cond3A_814 : i32
        scf.if %cond3A_815 {
          %dma_wait3A_842 = arith.constant 0 : i32
          %dma_wait3A_843 = arith.constant 0 : i32
          %dma_wait3A_844 = arith.constant 0 : i32
          %dma_wait3A_845 = arith.constant 0 : i32
          %dma_wait3A_846 = arith.constant 0 : i32
          %dma_wait3A_847 = tpu.memref_slice %arg6[%dma_wait3A_843, %dma_wait3A_845, %dma_wait3A_846] : memref<8x128x32xf32, #tpu.memory_space<vmem>> -> memref<1x128x32xf32, #tpu.memory_space<vmem>>
          %dma_wait3A_848 = tpu.memref_squeeze %dma_wait3A_847 : memref<1x128x32xf32, #tpu.memory_space<vmem>> -> memref<128x32xf32, #tpu.memory_space<vmem>>
          %dma_wait3A_849 = arith.constant 0 : i32
          %dma_wait3A_850 = arith.constant 0 : i32
          %dma_wait3A_851 = tpu.memref_slice %arg3[%dma_wait3A_842, %dma_wait3A_849, %dma_wait3A_850] : memref<26x100000x32xf32, #tpu.memory_space<hbm>> -> memref<1x100000x32xf32, #tpu.memory_space<hbm>>
          %dma_wait3A_852 = tpu.memref_squeeze %dma_wait3A_851 : memref<1x100000x32xf32, #tpu.memory_space<hbm>> -> memref<100000x32xf32, #tpu.memory_space<hbm>>
          %dma_wait3A_853 = arith.constant 0 : i32
          %dma_wait3A_854 = arith.constant 0 : i32
          %dma_wait3A_855 = tpu.memref_slice %dma_wait3A_852[%dma_wait3A_853, %dma_wait3A_854] : memref<100000x32xf32, #tpu.memory_space<hbm>> -> memref<128x32xf32, #tpu.memory_space<hbm>>
          %dma_wait3A_856 = tpu.memref_slice %arg8[%dma_wait3A_844] : memref<8x!tpu.dma_semaphore, #tpu.memory_space<semaphore_mem>> -> memref<1x!tpu.dma_semaphore, #tpu.memory_space<semaphore_mem>>
          %dma_wait3A_857 = tpu.memref_squeeze %dma_wait3A_856 : memref<1x!tpu.dma_semaphore, #tpu.memory_space<semaphore_mem>> -> memref<!tpu.dma_semaphore, #tpu.memory_space<semaphore_mem>>
          %dma_wait3A_858 = arith.constant 0 : i32
          %dma_wait3A_859 = arith.constant 0 : i32
          %dma_wait3A_860 = tpu.memref_slice %arg6[%dma_wait3A_843, %dma_wait3A_858, %dma_wait3A_859] : memref<8x128x32xf32, #tpu.memory_space<vmem>> -> memref<1x128x32xf32, #tpu.memory_space<vmem>>
          %dma_wait3A_861 = tpu.memref_squeeze %dma_wait3A_860 : memref<1x128x32xf32, #tpu.memory_space<vmem>> -> memref<128x32xf32, #tpu.memory_space<vmem>>
          %dma_wait3A_862 = arith.constant 0 : i32
          %dma_wait3A_863 = arith.constant 0 : i32
          %dma_wait3A_864 = tpu.memref_slice %arg3[%dma_wait3A_842, %dma_wait3A_862, %dma_wait3A_863] : memref<26x100000x32xf32, #tpu.memory_space<hbm>> -> memref<1x100000x32xf32, #tpu.memory_space<hbm>>
          %dma_wait3A_865 = tpu.memref_squeeze %dma_wait3A_864 : memref<1x100000x32xf32, #tpu.memory_space<hbm>> -> memref<100000x32xf32, #tpu.memory_space<hbm>>
          %dma_wait3A_866 = arith.constant 0 : i32
          %dma_wait3A_867 = arith.constant 0 : i32
          %dma_wait3A_868 = tpu.memref_slice %dma_wait3A_865[%dma_wait3A_866, %dma_wait3A_867] : memref<100000x32xf32, #tpu.memory_space<hbm>> -> memref<128x32xf32, #tpu.memory_space<hbm>>
          tpu.wait_dma2 semaphore(%dma_wait3A_857 : memref<!tpu.dma_semaphore, #tpu.memory_space<semaphore_mem>>) src(%dma_wait3A_868 : memref<128x32xf32, #tpu.memory_space<hbm>>) dst(%dma_wait3A_861 : memref<128x32xf32, #tpu.memory_space<vmem>>)
        } else {
        }
        %shift_right_logical3A_816 = arith.constant 2 : i32
        %shift_right_logical3A_817 = arith.shrui %add3A_626, %shift_right_logical3A_816 : i32
        %and3A_818 = arith.constant 3 : i32
        %and3A_819 = arith.andi %add3A_626, %and3A_818 : i32
        %shift_right_logical3A_820 = arith.constant 3 : i32
        %shift_right_logical3A_821 = arith.shrui %shift_right_logical3A_817, %shift_right_logical3A_820 : i32
        %and3A_822 = arith.constant 7 : i32
        %and3A_823 = arith.andi %shift_right_logical3A_817, %and3A_822 : i32
        %dma_start3A_824 = arith.constant 0 : i32
        %dma_start3A_825 = arith.constant 0 : i32
        %dma_start3A_826 = arith.constant 0 : i32
        %dma_start3A_827 = arith.constant 0 : i32
        %dma_start3A_828 = tpu.memref_slice %arg6[%dma_start3A_824, %dma_start3A_826, %dma_start3A_827] : memref<8x128x32xf32, #tpu.memory_space<vmem>> -> memref<1x128x32xf32, #tpu.memory_space<vmem>>
        %dma_start3A_829 = tpu.memref_squeeze %dma_start3A_828 : memref<1x128x32xf32, #tpu.memory_space<vmem>> -> memref<128x32xf32, #tpu.memory_space<vmem>>
        %dma_start3A_830 = arith.constant 0 : i32
        %dma_start3A_831 = tpu.memref_slice %arg5[%shift_right_logical3A_821, %and3A_819, %and3A_823, %dma_start3A_830] : memref<4x4x8x128xi32, #tpu.memory_space<vmem>> -> memref<1x1x1x128xi32, #tpu.memory_space<vmem>>
        %dma_start3A_832 = tpu.memref_squeeze %dma_start3A_831 : memref<1x1x1x128xi32, #tpu.memory_space<vmem>> -> memref<128xi32, #tpu.memory_space<vmem>>
        %dma_start3A_833 = arith.constant 0 : i32
        %dma_start3A_834 = arith.constant 0 : i32
        %dma_start3A_835 = tpu.memref_slice %arg3[%shift_right_logical3A_817, %dma_start3A_833, %dma_start3A_834] : memref<26x100000x32xf32, #tpu.memory_space<hbm>> -> memref<1x100000x32xf32, #tpu.memory_space<hbm>>
        %dma_start3A_836 = tpu.memref_squeeze %dma_start3A_835 : memref<1x100000x32xf32, #tpu.memory_space<hbm>> -> memref<100000x32xf32, #tpu.memory_space<hbm>>
        %dma_start3A_837 = arith.constant 0 : i32
        %dma_start3A_838 = arith.constant 0 : i32
        %dma_start3A_839 = tpu.memref_slice %dma_start3A_836[%dma_start3A_837, %dma_start3A_838] : memref<100000x32xf32, #tpu.memory_space<hbm>> -> memref<100000x32xf32, #tpu.memory_space<hbm>>
        %dma_start3A_840 = tpu.memref_slice %arg7[%dma_start3A_825] : memref<8x!tpu.dma_semaphore, #tpu.memory_space<semaphore_mem>> -> memref<1x!tpu.dma_semaphore, #tpu.memory_space<semaphore_mem>>
        %dma_start3A_841 = tpu.memref_squeeze %dma_start3A_840 : memref<1x!tpu.dma_semaphore, #tpu.memory_space<semaphore_mem>> -> memref<!tpu.dma_semaphore, #tpu.memory_space<semaphore_mem>>
        tpu.enqueue_indirect_dma source(%dma_start3A_839 : memref<100000x32xf32, #tpu.memory_space<hbm>>) target(%dma_start3A_829 : memref<128x32xf32, #tpu.memory_space<vmem>>) offsets(%dma_start3A_832 : memref<128xi32, #tpu.memory_space<vmem>>) semaphore(%dma_start3A_841 : memref<!tpu.dma_semaphore, #tpu.memory_space<semaphore_mem>>)
      } else {
      }
      %mul3A_632 = arith.constant 8 : i32
      %mul3A_633 = arith.muli %scan3A_334, %mul3A_632 : i32
      %add3A_634 = arith.constant 5 : i32
      %add3A_635 = arith.addi %mul3A_633, %add3A_634 : i32
      %dma_wait3A_636 = arith.constant 0 : i32
      %dma_wait3A_637 = arith.constant 5 : i32
      %dma_wait3A_638 = arith.constant 5 : i32
      %dma_wait3A_639 = arith.constant 0 : i32
      %dma_wait3A_640 = arith.constant 0 : i32
      %dma_wait3A_641 = tpu.memref_slice %arg6[%dma_wait3A_637, %dma_wait3A_639, %dma_wait3A_640] : memref<8x128x32xf32, #tpu.memory_space<vmem>> -> memref<1x128x32xf32, #tpu.memory_space<vmem>>
      %dma_wait3A_642 = tpu.memref_squeeze %dma_wait3A_641 : memref<1x128x32xf32, #tpu.memory_space<vmem>> -> memref<128x32xf32, #tpu.memory_space<vmem>>
      %dma_wait3A_643 = arith.constant 0 : i32
      %dma_wait3A_644 = arith.constant 0 : i32
      %dma_wait3A_645 = tpu.memref_slice %arg3[%dma_wait3A_636, %dma_wait3A_643, %dma_wait3A_644] : memref<26x100000x32xf32, #tpu.memory_space<hbm>> -> memref<1x100000x32xf32, #tpu.memory_space<hbm>>
      %dma_wait3A_646 = tpu.memref_squeeze %dma_wait3A_645 : memref<1x100000x32xf32, #tpu.memory_space<hbm>> -> memref<100000x32xf32, #tpu.memory_space<hbm>>
      %dma_wait3A_647 = arith.constant 0 : i32
      %dma_wait3A_648 = arith.constant 0 : i32
      %dma_wait3A_649 = tpu.memref_slice %dma_wait3A_646[%dma_wait3A_647, %dma_wait3A_648] : memref<100000x32xf32, #tpu.memory_space<hbm>> -> memref<128x32xf32, #tpu.memory_space<hbm>>
      %dma_wait3A_650 = tpu.memref_slice %arg7[%dma_wait3A_638] : memref<8x!tpu.dma_semaphore, #tpu.memory_space<semaphore_mem>> -> memref<1x!tpu.dma_semaphore, #tpu.memory_space<semaphore_mem>>
      %dma_wait3A_651 = tpu.memref_squeeze %dma_wait3A_650 : memref<1x!tpu.dma_semaphore, #tpu.memory_space<semaphore_mem>> -> memref<!tpu.dma_semaphore, #tpu.memory_space<semaphore_mem>>
      %dma_wait3A_652 = arith.constant 0 : i32
      %dma_wait3A_653 = arith.constant 0 : i32
      %dma_wait3A_654 = tpu.memref_slice %arg6[%dma_wait3A_637, %dma_wait3A_652, %dma_wait3A_653] : memref<8x128x32xf32, #tpu.memory_space<vmem>> -> memref<1x128x32xf32, #tpu.memory_space<vmem>>
      %dma_wait3A_655 = tpu.memref_squeeze %dma_wait3A_654 : memref<1x128x32xf32, #tpu.memory_space<vmem>> -> memref<128x32xf32, #tpu.memory_space<vmem>>
      %dma_wait3A_656 = arith.constant 0 : i32
      %dma_wait3A_657 = arith.constant 0 : i32
      %dma_wait3A_658 = tpu.memref_slice %arg3[%dma_wait3A_636, %dma_wait3A_656, %dma_wait3A_657] : memref<26x100000x32xf32, #tpu.memory_space<hbm>> -> memref<1x100000x32xf32, #tpu.memory_space<hbm>>
      %dma_wait3A_659 = tpu.memref_squeeze %dma_wait3A_658 : memref<1x100000x32xf32, #tpu.memory_space<hbm>> -> memref<100000x32xf32, #tpu.memory_space<hbm>>
      %dma_wait3A_660 = arith.constant 0 : i32
      %dma_wait3A_661 = arith.constant 0 : i32
      %dma_wait3A_662 = tpu.memref_slice %dma_wait3A_659[%dma_wait3A_660, %dma_wait3A_661] : memref<100000x32xf32, #tpu.memory_space<hbm>> -> memref<128x32xf32, #tpu.memory_space<hbm>>
      tpu.wait_dma2 semaphore(%dma_wait3A_651 : memref<!tpu.dma_semaphore, #tpu.memory_space<semaphore_mem>>) src(%dma_wait3A_662 : memref<128x32xf32, #tpu.memory_space<hbm>>) dst(%dma_wait3A_655 : memref<128x32xf32, #tpu.memory_space<vmem>>)
      %shift_right_logical3A_663 = arith.constant 2 : i32
      %shift_right_logical3A_664 = arith.shrui %add3A_635, %shift_right_logical3A_663 : i32
      %and3A_665 = arith.constant 3 : i32
      %and3A_666 = arith.andi %add3A_635, %and3A_665 : i32
      %mul3A_667 = arith.constant 128 : i32
      %mul3A_668 = arith.muli %and3A_666, %mul3A_667 : i32
      %add3A_669 = arith.addi %mul3A_2, %mul3A_668 : i32
      %dma_start3A_670 = arith.constant 5 : i32
      %dma_start3A_671 = arith.constant 5 : i32
      %dma_start3A_672 = arith.constant 0 : i32
      %dma_start3A_673 = arith.constant 0 : i32
      %dma_start3A_674 = tpu.memref_slice %arg6[%dma_start3A_671, %dma_start3A_672, %dma_start3A_673] : memref<8x128x32xf32, #tpu.memory_space<vmem>> -> memref<1x128x32xf32, #tpu.memory_space<vmem>>
      %dma_start3A_675 = arith.constant 0 : i32
      %dma_start3A_676 = tpu.memref_slice %arg4[%shift_right_logical3A_664, %add3A_669, %dma_start3A_675] : memref<26x16384x32xf32, #tpu.memory_space<hbm>> -> memref<1x128x32xf32, #tpu.memory_space<hbm>>
      %dma_start3A_677 = tpu.memref_slice %arg8[%dma_start3A_670] : memref<8x!tpu.dma_semaphore, #tpu.memory_space<semaphore_mem>> -> memref<1x!tpu.dma_semaphore, #tpu.memory_space<semaphore_mem>>
      %dma_start3A_678 = tpu.memref_squeeze %dma_start3A_677 : memref<1x!tpu.dma_semaphore, #tpu.memory_space<semaphore_mem>> -> memref<!tpu.dma_semaphore, #tpu.memory_space<semaphore_mem>>
      %dma_start3A_679 = arith.constant 0 : i32
      %dma_start3A_680 = tpu.memref_slice %arg4[%shift_right_logical3A_664, %add3A_669, %dma_start3A_679] : memref<26x16384x32xf32, #tpu.memory_space<hbm>> -> memref<1x128x32xf32, #tpu.memory_space<hbm>>
      %dma_start3A_681 = arith.constant 5 : i32
      %dma_start3A_682 = arith.constant 0 : i32
      %dma_start3A_683 = arith.constant 0 : i32
      %dma_start3A_684 = tpu.memref_slice %arg6[%dma_start3A_681, %dma_start3A_682, %dma_start3A_683] : memref<8x128x32xf32, #tpu.memory_space<vmem>> -> memref<1x128x32xf32, #tpu.memory_space<vmem>>
      tpu.enqueue_dma source(%dma_start3A_684 : memref<1x128x32xf32, #tpu.memory_space<vmem>>) target(%dma_start3A_680 : memref<1x128x32xf32, #tpu.memory_space<hbm>>) target_semaphore(%dma_start3A_678 : memref<!tpu.dma_semaphore, #tpu.memory_space<semaphore_mem>>)
      %add3A_685 = arith.constant 4 : i32
      %add3A_686 = arith.addi %add3A_635, %add3A_685 : i32
      %lt3A_687 = arith.constant 104 : i32
      %lt3A_688 = arith.cmpi slt, %add3A_686, %lt3A_687 : i32
      %convert_element_type3A_689 = arith.extui %lt3A_688 : i1 to i32
      %cond3A_690 = arith.constant 0 : i32
      %cond3A_691 = arith.cmpi ne, %convert_element_type3A_689, %cond3A_690 : i32
      scf.if %cond3A_691 {
        %ge3A = arith.constant 8 : i32
        %ge3A_812 = arith.cmpi sge, %add3A_686, %ge3A : i32
        %convert_element_type3A_813 = arith.extui %ge3A_812 : i1 to i32
        %cond3A_814 = arith.constant 0 : i32
        %cond3A_815 = arith.cmpi ne, %convert_element_type3A_813, %cond3A_814 : i32
        scf.if %cond3A_815 {
          %dma_wait3A_842 = arith.constant 0 : i32
          %dma_wait3A_843 = arith.constant 1 : i32
          %dma_wait3A_844 = arith.constant 1 : i32
          %dma_wait3A_845 = arith.constant 0 : i32
          %dma_wait3A_846 = arith.constant 0 : i32
          %dma_wait3A_847 = tpu.memref_slice %arg6[%dma_wait3A_843, %dma_wait3A_845, %dma_wait3A_846] : memref<8x128x32xf32, #tpu.memory_space<vmem>> -> memref<1x128x32xf32, #tpu.memory_space<vmem>>
          %dma_wait3A_848 = tpu.memref_squeeze %dma_wait3A_847 : memref<1x128x32xf32, #tpu.memory_space<vmem>> -> memref<128x32xf32, #tpu.memory_space<vmem>>
          %dma_wait3A_849 = arith.constant 0 : i32
          %dma_wait3A_850 = arith.constant 0 : i32
          %dma_wait3A_851 = tpu.memref_slice %arg3[%dma_wait3A_842, %dma_wait3A_849, %dma_wait3A_850] : memref<26x100000x32xf32, #tpu.memory_space<hbm>> -> memref<1x100000x32xf32, #tpu.memory_space<hbm>>
          %dma_wait3A_852 = tpu.memref_squeeze %dma_wait3A_851 : memref<1x100000x32xf32, #tpu.memory_space<hbm>> -> memref<100000x32xf32, #tpu.memory_space<hbm>>
          %dma_wait3A_853 = arith.constant 0 : i32
          %dma_wait3A_854 = arith.constant 0 : i32
          %dma_wait3A_855 = tpu.memref_slice %dma_wait3A_852[%dma_wait3A_853, %dma_wait3A_854] : memref<100000x32xf32, #tpu.memory_space<hbm>> -> memref<128x32xf32, #tpu.memory_space<hbm>>
          %dma_wait3A_856 = tpu.memref_slice %arg8[%dma_wait3A_844] : memref<8x!tpu.dma_semaphore, #tpu.memory_space<semaphore_mem>> -> memref<1x!tpu.dma_semaphore, #tpu.memory_space<semaphore_mem>>
          %dma_wait3A_857 = tpu.memref_squeeze %dma_wait3A_856 : memref<1x!tpu.dma_semaphore, #tpu.memory_space<semaphore_mem>> -> memref<!tpu.dma_semaphore, #tpu.memory_space<semaphore_mem>>
          %dma_wait3A_858 = arith.constant 0 : i32
          %dma_wait3A_859 = arith.constant 0 : i32
          %dma_wait3A_860 = tpu.memref_slice %arg6[%dma_wait3A_843, %dma_wait3A_858, %dma_wait3A_859] : memref<8x128x32xf32, #tpu.memory_space<vmem>> -> memref<1x128x32xf32, #tpu.memory_space<vmem>>
          %dma_wait3A_861 = tpu.memref_squeeze %dma_wait3A_860 : memref<1x128x32xf32, #tpu.memory_space<vmem>> -> memref<128x32xf32, #tpu.memory_space<vmem>>
          %dma_wait3A_862 = arith.constant 0 : i32
          %dma_wait3A_863 = arith.constant 0 : i32
          %dma_wait3A_864 = tpu.memref_slice %arg3[%dma_wait3A_842, %dma_wait3A_862, %dma_wait3A_863] : memref<26x100000x32xf32, #tpu.memory_space<hbm>> -> memref<1x100000x32xf32, #tpu.memory_space<hbm>>
          %dma_wait3A_865 = tpu.memref_squeeze %dma_wait3A_864 : memref<1x100000x32xf32, #tpu.memory_space<hbm>> -> memref<100000x32xf32, #tpu.memory_space<hbm>>
          %dma_wait3A_866 = arith.constant 0 : i32
          %dma_wait3A_867 = arith.constant 0 : i32
          %dma_wait3A_868 = tpu.memref_slice %dma_wait3A_865[%dma_wait3A_866, %dma_wait3A_867] : memref<100000x32xf32, #tpu.memory_space<hbm>> -> memref<128x32xf32, #tpu.memory_space<hbm>>
          tpu.wait_dma2 semaphore(%dma_wait3A_857 : memref<!tpu.dma_semaphore, #tpu.memory_space<semaphore_mem>>) src(%dma_wait3A_868 : memref<128x32xf32, #tpu.memory_space<hbm>>) dst(%dma_wait3A_861 : memref<128x32xf32, #tpu.memory_space<vmem>>)
        } else {
        }
        %shift_right_logical3A_816 = arith.constant 2 : i32
        %shift_right_logical3A_817 = arith.shrui %add3A_686, %shift_right_logical3A_816 : i32
        %and3A_818 = arith.constant 3 : i32
        %and3A_819 = arith.andi %add3A_686, %and3A_818 : i32
        %shift_right_logical3A_820 = arith.constant 3 : i32
        %shift_right_logical3A_821 = arith.shrui %shift_right_logical3A_817, %shift_right_logical3A_820 : i32
        %and3A_822 = arith.constant 7 : i32
        %and3A_823 = arith.andi %shift_right_logical3A_817, %and3A_822 : i32
        %dma_start3A_824 = arith.constant 1 : i32
        %dma_start3A_825 = arith.constant 1 : i32
        %dma_start3A_826 = arith.constant 0 : i32
        %dma_start3A_827 = arith.constant 0 : i32
        %dma_start3A_828 = tpu.memref_slice %arg6[%dma_start3A_824, %dma_start3A_826, %dma_start3A_827] : memref<8x128x32xf32, #tpu.memory_space<vmem>> -> memref<1x128x32xf32, #tpu.memory_space<vmem>>
        %dma_start3A_829 = tpu.memref_squeeze %dma_start3A_828 : memref<1x128x32xf32, #tpu.memory_space<vmem>> -> memref<128x32xf32, #tpu.memory_space<vmem>>
        %dma_start3A_830 = arith.constant 0 : i32
        %dma_start3A_831 = tpu.memref_slice %arg5[%shift_right_logical3A_821, %and3A_819, %and3A_823, %dma_start3A_830] : memref<4x4x8x128xi32, #tpu.memory_space<vmem>> -> memref<1x1x1x128xi32, #tpu.memory_space<vmem>>
        %dma_start3A_832 = tpu.memref_squeeze %dma_start3A_831 : memref<1x1x1x128xi32, #tpu.memory_space<vmem>> -> memref<128xi32, #tpu.memory_space<vmem>>
        %dma_start3A_833 = arith.constant 0 : i32
        %dma_start3A_834 = arith.constant 0 : i32
        %dma_start3A_835 = tpu.memref_slice %arg3[%shift_right_logical3A_817, %dma_start3A_833, %dma_start3A_834] : memref<26x100000x32xf32, #tpu.memory_space<hbm>> -> memref<1x100000x32xf32, #tpu.memory_space<hbm>>
        %dma_start3A_836 = tpu.memref_squeeze %dma_start3A_835 : memref<1x100000x32xf32, #tpu.memory_space<hbm>> -> memref<100000x32xf32, #tpu.memory_space<hbm>>
        %dma_start3A_837 = arith.constant 0 : i32
        %dma_start3A_838 = arith.constant 0 : i32
        %dma_start3A_839 = tpu.memref_slice %dma_start3A_836[%dma_start3A_837, %dma_start3A_838] : memref<100000x32xf32, #tpu.memory_space<hbm>> -> memref<100000x32xf32, #tpu.memory_space<hbm>>
        %dma_start3A_840 = tpu.memref_slice %arg7[%dma_start3A_825] : memref<8x!tpu.dma_semaphore, #tpu.memory_space<semaphore_mem>> -> memref<1x!tpu.dma_semaphore, #tpu.memory_space<semaphore_mem>>
        %dma_start3A_841 = tpu.memref_squeeze %dma_start3A_840 : memref<1x!tpu.dma_semaphore, #tpu.memory_space<semaphore_mem>> -> memref<!tpu.dma_semaphore, #tpu.memory_space<semaphore_mem>>
        tpu.enqueue_indirect_dma source(%dma_start3A_839 : memref<100000x32xf32, #tpu.memory_space<hbm>>) target(%dma_start3A_829 : memref<128x32xf32, #tpu.memory_space<vmem>>) offsets(%dma_start3A_832 : memref<128xi32, #tpu.memory_space<vmem>>) semaphore(%dma_start3A_841 : memref<!tpu.dma_semaphore, #tpu.memory_space<semaphore_mem>>)
      } else {
      }
      %mul3A_692 = arith.constant 8 : i32
      %mul3A_693 = arith.muli %scan3A_334, %mul3A_692 : i32
      %add3A_694 = arith.constant 6 : i32
      %add3A_695 = arith.addi %mul3A_693, %add3A_694 : i32
      %dma_wait3A_696 = arith.constant 0 : i32
      %dma_wait3A_697 = arith.constant 6 : i32
      %dma_wait3A_698 = arith.constant 6 : i32
      %dma_wait3A_699 = arith.constant 0 : i32
      %dma_wait3A_700 = arith.constant 0 : i32
      %dma_wait3A_701 = tpu.memref_slice %arg6[%dma_wait3A_697, %dma_wait3A_699, %dma_wait3A_700] : memref<8x128x32xf32, #tpu.memory_space<vmem>> -> memref<1x128x32xf32, #tpu.memory_space<vmem>>
      %dma_wait3A_702 = tpu.memref_squeeze %dma_wait3A_701 : memref<1x128x32xf32, #tpu.memory_space<vmem>> -> memref<128x32xf32, #tpu.memory_space<vmem>>
      %dma_wait3A_703 = arith.constant 0 : i32
      %dma_wait3A_704 = arith.constant 0 : i32
      %dma_wait3A_705 = tpu.memref_slice %arg3[%dma_wait3A_696, %dma_wait3A_703, %dma_wait3A_704] : memref<26x100000x32xf32, #tpu.memory_space<hbm>> -> memref<1x100000x32xf32, #tpu.memory_space<hbm>>
      %dma_wait3A_706 = tpu.memref_squeeze %dma_wait3A_705 : memref<1x100000x32xf32, #tpu.memory_space<hbm>> -> memref<100000x32xf32, #tpu.memory_space<hbm>>
      %dma_wait3A_707 = arith.constant 0 : i32
      %dma_wait3A_708 = arith.constant 0 : i32
      %dma_wait3A_709 = tpu.memref_slice %dma_wait3A_706[%dma_wait3A_707, %dma_wait3A_708] : memref<100000x32xf32, #tpu.memory_space<hbm>> -> memref<128x32xf32, #tpu.memory_space<hbm>>
      %dma_wait3A_710 = tpu.memref_slice %arg7[%dma_wait3A_698] : memref<8x!tpu.dma_semaphore, #tpu.memory_space<semaphore_mem>> -> memref<1x!tpu.dma_semaphore, #tpu.memory_space<semaphore_mem>>
      %dma_wait3A_711 = tpu.memref_squeeze %dma_wait3A_710 : memref<1x!tpu.dma_semaphore, #tpu.memory_space<semaphore_mem>> -> memref<!tpu.dma_semaphore, #tpu.memory_space<semaphore_mem>>
      %dma_wait3A_712 = arith.constant 0 : i32
      %dma_wait3A_713 = arith.constant 0 : i32
      %dma_wait3A_714 = tpu.memref_slice %arg6[%dma_wait3A_697, %dma_wait3A_712, %dma_wait3A_713] : memref<8x128x32xf32, #tpu.memory_space<vmem>> -> memref<1x128x32xf32, #tpu.memory_space<vmem>>
      %dma_wait3A_715 = tpu.memref_squeeze %dma_wait3A_714 : memref<1x128x32xf32, #tpu.memory_space<vmem>> -> memref<128x32xf32, #tpu.memory_space<vmem>>
      %dma_wait3A_716 = arith.constant 0 : i32
      %dma_wait3A_717 = arith.constant 0 : i32
      %dma_wait3A_718 = tpu.memref_slice %arg3[%dma_wait3A_696, %dma_wait3A_716, %dma_wait3A_717] : memref<26x100000x32xf32, #tpu.memory_space<hbm>> -> memref<1x100000x32xf32, #tpu.memory_space<hbm>>
      %dma_wait3A_719 = tpu.memref_squeeze %dma_wait3A_718 : memref<1x100000x32xf32, #tpu.memory_space<hbm>> -> memref<100000x32xf32, #tpu.memory_space<hbm>>
      %dma_wait3A_720 = arith.constant 0 : i32
      %dma_wait3A_721 = arith.constant 0 : i32
      %dma_wait3A_722 = tpu.memref_slice %dma_wait3A_719[%dma_wait3A_720, %dma_wait3A_721] : memref<100000x32xf32, #tpu.memory_space<hbm>> -> memref<128x32xf32, #tpu.memory_space<hbm>>
      tpu.wait_dma2 semaphore(%dma_wait3A_711 : memref<!tpu.dma_semaphore, #tpu.memory_space<semaphore_mem>>) src(%dma_wait3A_722 : memref<128x32xf32, #tpu.memory_space<hbm>>) dst(%dma_wait3A_715 : memref<128x32xf32, #tpu.memory_space<vmem>>)
      %shift_right_logical3A_723 = arith.constant 2 : i32
      %shift_right_logical3A_724 = arith.shrui %add3A_695, %shift_right_logical3A_723 : i32
      %and3A_725 = arith.constant 3 : i32
      %and3A_726 = arith.andi %add3A_695, %and3A_725 : i32
      %mul3A_727 = arith.constant 128 : i32
      %mul3A_728 = arith.muli %and3A_726, %mul3A_727 : i32
      %add3A_729 = arith.addi %mul3A_2, %mul3A_728 : i32
      %dma_start3A_730 = arith.constant 6 : i32
      %dma_start3A_731 = arith.constant 6 : i32
      %dma_start3A_732 = arith.constant 0 : i32
      %dma_start3A_733 = arith.constant 0 : i32
      %dma_start3A_734 = tpu.memref_slice %arg6[%dma_start3A_731, %dma_start3A_732, %dma_start3A_733] : memref<8x128x32xf32, #tpu.memory_space<vmem>> -> memref<1x128x32xf32, #tpu.memory_space<vmem>>
      %dma_start3A_735 = arith.constant 0 : i32
      %dma_start3A_736 = tpu.memref_slice %arg4[%shift_right_logical3A_724, %add3A_729, %dma_start3A_735] : memref<26x16384x32xf32, #tpu.memory_space<hbm>> -> memref<1x128x32xf32, #tpu.memory_space<hbm>>
      %dma_start3A_737 = tpu.memref_slice %arg8[%dma_start3A_730] : memref<8x!tpu.dma_semaphore, #tpu.memory_space<semaphore_mem>> -> memref<1x!tpu.dma_semaphore, #tpu.memory_space<semaphore_mem>>
      %dma_start3A_738 = tpu.memref_squeeze %dma_start3A_737 : memref<1x!tpu.dma_semaphore, #tpu.memory_space<semaphore_mem>> -> memref<!tpu.dma_semaphore, #tpu.memory_space<semaphore_mem>>
      %dma_start3A_739 = arith.constant 0 : i32
      %dma_start3A_740 = tpu.memref_slice %arg4[%shift_right_logical3A_724, %add3A_729, %dma_start3A_739] : memref<26x16384x32xf32, #tpu.memory_space<hbm>> -> memref<1x128x32xf32, #tpu.memory_space<hbm>>
      %dma_start3A_741 = arith.constant 6 : i32
      %dma_start3A_742 = arith.constant 0 : i32
      %dma_start3A_743 = arith.constant 0 : i32
      %dma_start3A_744 = tpu.memref_slice %arg6[%dma_start3A_741, %dma_start3A_742, %dma_start3A_743] : memref<8x128x32xf32, #tpu.memory_space<vmem>> -> memref<1x128x32xf32, #tpu.memory_space<vmem>>
      tpu.enqueue_dma source(%dma_start3A_744 : memref<1x128x32xf32, #tpu.memory_space<vmem>>) target(%dma_start3A_740 : memref<1x128x32xf32, #tpu.memory_space<hbm>>) target_semaphore(%dma_start3A_738 : memref<!tpu.dma_semaphore, #tpu.memory_space<semaphore_mem>>)
      %add3A_745 = arith.constant 4 : i32
      %add3A_746 = arith.addi %add3A_695, %add3A_745 : i32
      %lt3A_747 = arith.constant 104 : i32
      %lt3A_748 = arith.cmpi slt, %add3A_746, %lt3A_747 : i32
      %convert_element_type3A_749 = arith.extui %lt3A_748 : i1 to i32
      %cond3A_750 = arith.constant 0 : i32
      %cond3A_751 = arith.cmpi ne, %convert_element_type3A_749, %cond3A_750 : i32
      scf.if %cond3A_751 {
        %ge3A = arith.constant 8 : i32
        %ge3A_812 = arith.cmpi sge, %add3A_746, %ge3A : i32
        %convert_element_type3A_813 = arith.extui %ge3A_812 : i1 to i32
        %cond3A_814 = arith.constant 0 : i32
        %cond3A_815 = arith.cmpi ne, %convert_element_type3A_813, %cond3A_814 : i32
        scf.if %cond3A_815 {
          %dma_wait3A_842 = arith.constant 0 : i32
          %dma_wait3A_843 = arith.constant 2 : i32
          %dma_wait3A_844 = arith.constant 2 : i32
          %dma_wait3A_845 = arith.constant 0 : i32
          %dma_wait3A_846 = arith.constant 0 : i32
          %dma_wait3A_847 = tpu.memref_slice %arg6[%dma_wait3A_843, %dma_wait3A_845, %dma_wait3A_846] : memref<8x128x32xf32, #tpu.memory_space<vmem>> -> memref<1x128x32xf32, #tpu.memory_space<vmem>>
          %dma_wait3A_848 = tpu.memref_squeeze %dma_wait3A_847 : memref<1x128x32xf32, #tpu.memory_space<vmem>> -> memref<128x32xf32, #tpu.memory_space<vmem>>
          %dma_wait3A_849 = arith.constant 0 : i32
          %dma_wait3A_850 = arith.constant 0 : i32
          %dma_wait3A_851 = tpu.memref_slice %arg3[%dma_wait3A_842, %dma_wait3A_849, %dma_wait3A_850] : memref<26x100000x32xf32, #tpu.memory_space<hbm>> -> memref<1x100000x32xf32, #tpu.memory_space<hbm>>
          %dma_wait3A_852 = tpu.memref_squeeze %dma_wait3A_851 : memref<1x100000x32xf32, #tpu.memory_space<hbm>> -> memref<100000x32xf32, #tpu.memory_space<hbm>>
          %dma_wait3A_853 = arith.constant 0 : i32
          %dma_wait3A_854 = arith.constant 0 : i32
          %dma_wait3A_855 = tpu.memref_slice %dma_wait3A_852[%dma_wait3A_853, %dma_wait3A_854] : memref<100000x32xf32, #tpu.memory_space<hbm>> -> memref<128x32xf32, #tpu.memory_space<hbm>>
          %dma_wait3A_856 = tpu.memref_slice %arg8[%dma_wait3A_844] : memref<8x!tpu.dma_semaphore, #tpu.memory_space<semaphore_mem>> -> memref<1x!tpu.dma_semaphore, #tpu.memory_space<semaphore_mem>>
          %dma_wait3A_857 = tpu.memref_squeeze %dma_wait3A_856 : memref<1x!tpu.dma_semaphore, #tpu.memory_space<semaphore_mem>> -> memref<!tpu.dma_semaphore, #tpu.memory_space<semaphore_mem>>
          %dma_wait3A_858 = arith.constant 0 : i32
          %dma_wait3A_859 = arith.constant 0 : i32
          %dma_wait3A_860 = tpu.memref_slice %arg6[%dma_wait3A_843, %dma_wait3A_858, %dma_wait3A_859] : memref<8x128x32xf32, #tpu.memory_space<vmem>> -> memref<1x128x32xf32, #tpu.memory_space<vmem>>
          %dma_wait3A_861 = tpu.memref_squeeze %dma_wait3A_860 : memref<1x128x32xf32, #tpu.memory_space<vmem>> -> memref<128x32xf32, #tpu.memory_space<vmem>>
          %dma_wait3A_862 = arith.constant 0 : i32
          %dma_wait3A_863 = arith.constant 0 : i32
          %dma_wait3A_864 = tpu.memref_slice %arg3[%dma_wait3A_842, %dma_wait3A_862, %dma_wait3A_863] : memref<26x100000x32xf32, #tpu.memory_space<hbm>> -> memref<1x100000x32xf32, #tpu.memory_space<hbm>>
          %dma_wait3A_865 = tpu.memref_squeeze %dma_wait3A_864 : memref<1x100000x32xf32, #tpu.memory_space<hbm>> -> memref<100000x32xf32, #tpu.memory_space<hbm>>
          %dma_wait3A_866 = arith.constant 0 : i32
          %dma_wait3A_867 = arith.constant 0 : i32
          %dma_wait3A_868 = tpu.memref_slice %dma_wait3A_865[%dma_wait3A_866, %dma_wait3A_867] : memref<100000x32xf32, #tpu.memory_space<hbm>> -> memref<128x32xf32, #tpu.memory_space<hbm>>
          tpu.wait_dma2 semaphore(%dma_wait3A_857 : memref<!tpu.dma_semaphore, #tpu.memory_space<semaphore_mem>>) src(%dma_wait3A_868 : memref<128x32xf32, #tpu.memory_space<hbm>>) dst(%dma_wait3A_861 : memref<128x32xf32, #tpu.memory_space<vmem>>)
        } else {
        }
        %shift_right_logical3A_816 = arith.constant 2 : i32
        %shift_right_logical3A_817 = arith.shrui %add3A_746, %shift_right_logical3A_816 : i32
        %and3A_818 = arith.constant 3 : i32
        %and3A_819 = arith.andi %add3A_746, %and3A_818 : i32
        %shift_right_logical3A_820 = arith.constant 3 : i32
        %shift_right_logical3A_821 = arith.shrui %shift_right_logical3A_817, %shift_right_logical3A_820 : i32
        %and3A_822 = arith.constant 7 : i32
        %and3A_823 = arith.andi %shift_right_logical3A_817, %and3A_822 : i32
        %dma_start3A_824 = arith.constant 2 : i32
        %dma_start3A_825 = arith.constant 2 : i32
        %dma_start3A_826 = arith.constant 0 : i32
        %dma_start3A_827 = arith.constant 0 : i32
        %dma_start3A_828 = tpu.memref_slice %arg6[%dma_start3A_824, %dma_start3A_826, %dma_start3A_827] : memref<8x128x32xf32, #tpu.memory_space<vmem>> -> memref<1x128x32xf32, #tpu.memory_space<vmem>>
        %dma_start3A_829 = tpu.memref_squeeze %dma_start3A_828 : memref<1x128x32xf32, #tpu.memory_space<vmem>> -> memref<128x32xf32, #tpu.memory_space<vmem>>
        %dma_start3A_830 = arith.constant 0 : i32
        %dma_start3A_831 = tpu.memref_slice %arg5[%shift_right_logical3A_821, %and3A_819, %and3A_823, %dma_start3A_830] : memref<4x4x8x128xi32, #tpu.memory_space<vmem>> -> memref<1x1x1x128xi32, #tpu.memory_space<vmem>>
        %dma_start3A_832 = tpu.memref_squeeze %dma_start3A_831 : memref<1x1x1x128xi32, #tpu.memory_space<vmem>> -> memref<128xi32, #tpu.memory_space<vmem>>
        %dma_start3A_833 = arith.constant 0 : i32
        %dma_start3A_834 = arith.constant 0 : i32
        %dma_start3A_835 = tpu.memref_slice %arg3[%shift_right_logical3A_817, %dma_start3A_833, %dma_start3A_834] : memref<26x100000x32xf32, #tpu.memory_space<hbm>> -> memref<1x100000x32xf32, #tpu.memory_space<hbm>>
        %dma_start3A_836 = tpu.memref_squeeze %dma_start3A_835 : memref<1x100000x32xf32, #tpu.memory_space<hbm>> -> memref<100000x32xf32, #tpu.memory_space<hbm>>
        %dma_start3A_837 = arith.constant 0 : i32
        %dma_start3A_838 = arith.constant 0 : i32
        %dma_start3A_839 = tpu.memref_slice %dma_start3A_836[%dma_start3A_837, %dma_start3A_838] : memref<100000x32xf32, #tpu.memory_space<hbm>> -> memref<100000x32xf32, #tpu.memory_space<hbm>>
        %dma_start3A_840 = tpu.memref_slice %arg7[%dma_start3A_825] : memref<8x!tpu.dma_semaphore, #tpu.memory_space<semaphore_mem>> -> memref<1x!tpu.dma_semaphore, #tpu.memory_space<semaphore_mem>>
        %dma_start3A_841 = tpu.memref_squeeze %dma_start3A_840 : memref<1x!tpu.dma_semaphore, #tpu.memory_space<semaphore_mem>> -> memref<!tpu.dma_semaphore, #tpu.memory_space<semaphore_mem>>
        tpu.enqueue_indirect_dma source(%dma_start3A_839 : memref<100000x32xf32, #tpu.memory_space<hbm>>) target(%dma_start3A_829 : memref<128x32xf32, #tpu.memory_space<vmem>>) offsets(%dma_start3A_832 : memref<128xi32, #tpu.memory_space<vmem>>) semaphore(%dma_start3A_841 : memref<!tpu.dma_semaphore, #tpu.memory_space<semaphore_mem>>)
      } else {
      }
      %mul3A_752 = arith.constant 8 : i32
      %mul3A_753 = arith.muli %scan3A_334, %mul3A_752 : i32
      %add3A_754 = arith.constant 7 : i32
      %add3A_755 = arith.addi %mul3A_753, %add3A_754 : i32
      %dma_wait3A_756 = arith.constant 0 : i32
      %dma_wait3A_757 = arith.constant 7 : i32
      %dma_wait3A_758 = arith.constant 7 : i32
      %dma_wait3A_759 = arith.constant 0 : i32
      %dma_wait3A_760 = arith.constant 0 : i32
      %dma_wait3A_761 = tpu.memref_slice %arg6[%dma_wait3A_757, %dma_wait3A_759, %dma_wait3A_760] : memref<8x128x32xf32, #tpu.memory_space<vmem>> -> memref<1x128x32xf32, #tpu.memory_space<vmem>>
      %dma_wait3A_762 = tpu.memref_squeeze %dma_wait3A_761 : memref<1x128x32xf32, #tpu.memory_space<vmem>> -> memref<128x32xf32, #tpu.memory_space<vmem>>
      %dma_wait3A_763 = arith.constant 0 : i32
      %dma_wait3A_764 = arith.constant 0 : i32
      %dma_wait3A_765 = tpu.memref_slice %arg3[%dma_wait3A_756, %dma_wait3A_763, %dma_wait3A_764] : memref<26x100000x32xf32, #tpu.memory_space<hbm>> -> memref<1x100000x32xf32, #tpu.memory_space<hbm>>
      %dma_wait3A_766 = tpu.memref_squeeze %dma_wait3A_765 : memref<1x100000x32xf32, #tpu.memory_space<hbm>> -> memref<100000x32xf32, #tpu.memory_space<hbm>>
      %dma_wait3A_767 = arith.constant 0 : i32
      %dma_wait3A_768 = arith.constant 0 : i32
      %dma_wait3A_769 = tpu.memref_slice %dma_wait3A_766[%dma_wait3A_767, %dma_wait3A_768] : memref<100000x32xf32, #tpu.memory_space<hbm>> -> memref<128x32xf32, #tpu.memory_space<hbm>>
      %dma_wait3A_770 = tpu.memref_slice %arg7[%dma_wait3A_758] : memref<8x!tpu.dma_semaphore, #tpu.memory_space<semaphore_mem>> -> memref<1x!tpu.dma_semaphore, #tpu.memory_space<semaphore_mem>>
      %dma_wait3A_771 = tpu.memref_squeeze %dma_wait3A_770 : memref<1x!tpu.dma_semaphore, #tpu.memory_space<semaphore_mem>> -> memref<!tpu.dma_semaphore, #tpu.memory_space<semaphore_mem>>
      %dma_wait3A_772 = arith.constant 0 : i32
      %dma_wait3A_773 = arith.constant 0 : i32
      %dma_wait3A_774 = tpu.memref_slice %arg6[%dma_wait3A_757, %dma_wait3A_772, %dma_wait3A_773] : memref<8x128x32xf32, #tpu.memory_space<vmem>> -> memref<1x128x32xf32, #tpu.memory_space<vmem>>
      %dma_wait3A_775 = tpu.memref_squeeze %dma_wait3A_774 : memref<1x128x32xf32, #tpu.memory_space<vmem>> -> memref<128x32xf32, #tpu.memory_space<vmem>>
      %dma_wait3A_776 = arith.constant 0 : i32
      %dma_wait3A_777 = arith.constant 0 : i32
      %dma_wait3A_778 = tpu.memref_slice %arg3[%dma_wait3A_756, %dma_wait3A_776, %dma_wait3A_777] : memref<26x100000x32xf32, #tpu.memory_space<hbm>> -> memref<1x100000x32xf32, #tpu.memory_space<hbm>>
      %dma_wait3A_779 = tpu.memref_squeeze %dma_wait3A_778 : memref<1x100000x32xf32, #tpu.memory_space<hbm>> -> memref<100000x32xf32, #tpu.memory_space<hbm>>
      %dma_wait3A_780 = arith.constant 0 : i32
      %dma_wait3A_781 = arith.constant 0 : i32
      %dma_wait3A_782 = tpu.memref_slice %dma_wait3A_779[%dma_wait3A_780, %dma_wait3A_781] : memref<100000x32xf32, #tpu.memory_space<hbm>> -> memref<128x32xf32, #tpu.memory_space<hbm>>
      tpu.wait_dma2 semaphore(%dma_wait3A_771 : memref<!tpu.dma_semaphore, #tpu.memory_space<semaphore_mem>>) src(%dma_wait3A_782 : memref<128x32xf32, #tpu.memory_space<hbm>>) dst(%dma_wait3A_775 : memref<128x32xf32, #tpu.memory_space<vmem>>)
      %shift_right_logical3A_783 = arith.constant 2 : i32
      %shift_right_logical3A_784 = arith.shrui %add3A_755, %shift_right_logical3A_783 : i32
      %and3A_785 = arith.constant 3 : i32
      %and3A_786 = arith.andi %add3A_755, %and3A_785 : i32
      %mul3A_787 = arith.constant 128 : i32
      %mul3A_788 = arith.muli %and3A_786, %mul3A_787 : i32
      %add3A_789 = arith.addi %mul3A_2, %mul3A_788 : i32
      %dma_start3A_790 = arith.constant 7 : i32
      %dma_start3A_791 = arith.constant 7 : i32
      %dma_start3A_792 = arith.constant 0 : i32
      %dma_start3A_793 = arith.constant 0 : i32
      %dma_start3A_794 = tpu.memref_slice %arg6[%dma_start3A_791, %dma_start3A_792, %dma_start3A_793] : memref<8x128x32xf32, #tpu.memory_space<vmem>> -> memref<1x128x32xf32, #tpu.memory_space<vmem>>
      %dma_start3A_795 = arith.constant 0 : i32
      %dma_start3A_796 = tpu.memref_slice %arg4[%shift_right_logical3A_784, %add3A_789, %dma_start3A_795] : memref<26x16384x32xf32, #tpu.memory_space<hbm>> -> memref<1x128x32xf32, #tpu.memory_space<hbm>>
      %dma_start3A_797 = tpu.memref_slice %arg8[%dma_start3A_790] : memref<8x!tpu.dma_semaphore, #tpu.memory_space<semaphore_mem>> -> memref<1x!tpu.dma_semaphore, #tpu.memory_space<semaphore_mem>>
      %dma_start3A_798 = tpu.memref_squeeze %dma_start3A_797 : memref<1x!tpu.dma_semaphore, #tpu.memory_space<semaphore_mem>> -> memref<!tpu.dma_semaphore, #tpu.memory_space<semaphore_mem>>
      %dma_start3A_799 = arith.constant 0 : i32
      %dma_start3A_800 = tpu.memref_slice %arg4[%shift_right_logical3A_784, %add3A_789, %dma_start3A_799] : memref<26x16384x32xf32, #tpu.memory_space<hbm>> -> memref<1x128x32xf32, #tpu.memory_space<hbm>>
      %dma_start3A_801 = arith.constant 7 : i32
      %dma_start3A_802 = arith.constant 0 : i32
      %dma_start3A_803 = arith.constant 0 : i32
      %dma_start3A_804 = tpu.memref_slice %arg6[%dma_start3A_801, %dma_start3A_802, %dma_start3A_803] : memref<8x128x32xf32, #tpu.memory_space<vmem>> -> memref<1x128x32xf32, #tpu.memory_space<vmem>>
      tpu.enqueue_dma source(%dma_start3A_804 : memref<1x128x32xf32, #tpu.memory_space<vmem>>) target(%dma_start3A_800 : memref<1x128x32xf32, #tpu.memory_space<hbm>>) target_semaphore(%dma_start3A_798 : memref<!tpu.dma_semaphore, #tpu.memory_space<semaphore_mem>>)
      %add3A_805 = arith.constant 4 : i32
      %add3A_806 = arith.addi %add3A_755, %add3A_805 : i32
      %lt3A_807 = arith.constant 104 : i32
      %lt3A_808 = arith.cmpi slt, %add3A_806, %lt3A_807 : i32
      %convert_element_type3A_809 = arith.extui %lt3A_808 : i1 to i32
      %cond3A_810 = arith.constant 0 : i32
      %cond3A_811 = arith.cmpi ne, %convert_element_type3A_809, %cond3A_810 : i32
      scf.if %cond3A_811 {
        %ge3A = arith.constant 8 : i32
        %ge3A_812 = arith.cmpi sge, %add3A_806, %ge3A : i32
        %convert_element_type3A_813 = arith.extui %ge3A_812 : i1 to i32
        %cond3A_814 = arith.constant 0 : i32
        %cond3A_815 = arith.cmpi ne, %convert_element_type3A_813, %cond3A_814 : i32
        scf.if %cond3A_815 {
          %dma_wait3A_842 = arith.constant 0 : i32
          %dma_wait3A_843 = arith.constant 3 : i32
          %dma_wait3A_844 = arith.constant 3 : i32
          %dma_wait3A_845 = arith.constant 0 : i32
          %dma_wait3A_846 = arith.constant 0 : i32
          %dma_wait3A_847 = tpu.memref_slice %arg6[%dma_wait3A_843, %dma_wait3A_845, %dma_wait3A_846] : memref<8x128x32xf32, #tpu.memory_space<vmem>> -> memref<1x128x32xf32, #tpu.memory_space<vmem>>
          %dma_wait3A_848 = tpu.memref_squeeze %dma_wait3A_847 : memref<1x128x32xf32, #tpu.memory_space<vmem>> -> memref<128x32xf32, #tpu.memory_space<vmem>>
          %dma_wait3A_849 = arith.constant 0 : i32
          %dma_wait3A_850 = arith.constant 0 : i32
          %dma_wait3A_851 = tpu.memref_slice %arg3[%dma_wait3A_842, %dma_wait3A_849, %dma_wait3A_850] : memref<26x100000x32xf32, #tpu.memory_space<hbm>> -> memref<1x100000x32xf32, #tpu.memory_space<hbm>>
          %dma_wait3A_852 = tpu.memref_squeeze %dma_wait3A_851 : memref<1x100000x32xf32, #tpu.memory_space<hbm>> -> memref<100000x32xf32, #tpu.memory_space<hbm>>
          %dma_wait3A_853 = arith.constant 0 : i32
          %dma_wait3A_854 = arith.constant 0 : i32
          %dma_wait3A_855 = tpu.memref_slice %dma_wait3A_852[%dma_wait3A_853, %dma_wait3A_854] : memref<100000x32xf32, #tpu.memory_space<hbm>> -> memref<128x32xf32, #tpu.memory_space<hbm>>
          %dma_wait3A_856 = tpu.memref_slice %arg8[%dma_wait3A_844] : memref<8x!tpu.dma_semaphore, #tpu.memory_space<semaphore_mem>> -> memref<1x!tpu.dma_semaphore, #tpu.memory_space<semaphore_mem>>
          %dma_wait3A_857 = tpu.memref_squeeze %dma_wait3A_856 : memref<1x!tpu.dma_semaphore, #tpu.memory_space<semaphore_mem>> -> memref<!tpu.dma_semaphore, #tpu.memory_space<semaphore_mem>>
          %dma_wait3A_858 = arith.constant 0 : i32
          %dma_wait3A_859 = arith.constant 0 : i32
          %dma_wait3A_860 = tpu.memref_slice %arg6[%dma_wait3A_843, %dma_wait3A_858, %dma_wait3A_859] : memref<8x128x32xf32, #tpu.memory_space<vmem>> -> memref<1x128x32xf32, #tpu.memory_space<vmem>>
          %dma_wait3A_861 = tpu.memref_squeeze %dma_wait3A_860 : memref<1x128x32xf32, #tpu.memory_space<vmem>> -> memref<128x32xf32, #tpu.memory_space<vmem>>
          %dma_wait3A_862 = arith.constant 0 : i32
          %dma_wait3A_863 = arith.constant 0 : i32
          %dma_wait3A_864 = tpu.memref_slice %arg3[%dma_wait3A_842, %dma_wait3A_862, %dma_wait3A_863] : memref<26x100000x32xf32, #tpu.memory_space<hbm>> -> memref<1x100000x32xf32, #tpu.memory_space<hbm>>
          %dma_wait3A_865 = tpu.memref_squeeze %dma_wait3A_864 : memref<1x100000x32xf32, #tpu.memory_space<hbm>> -> memref<100000x32xf32, #tpu.memory_space<hbm>>
          %dma_wait3A_866 = arith.constant 0 : i32
          %dma_wait3A_867 = arith.constant 0 : i32
          %dma_wait3A_868 = tpu.memref_slice %dma_wait3A_865[%dma_wait3A_866, %dma_wait3A_867] : memref<100000x32xf32, #tpu.memory_space<hbm>> -> memref<128x32xf32, #tpu.memory_space<hbm>>
          tpu.wait_dma2 semaphore(%dma_wait3A_857 : memref<!tpu.dma_semaphore, #tpu.memory_space<semaphore_mem>>) src(%dma_wait3A_868 : memref<128x32xf32, #tpu.memory_space<hbm>>) dst(%dma_wait3A_861 : memref<128x32xf32, #tpu.memory_space<vmem>>)
        } else {
        }
        %shift_right_logical3A_816 = arith.constant 2 : i32
        %shift_right_logical3A_817 = arith.shrui %add3A_806, %shift_right_logical3A_816 : i32
        %and3A_818 = arith.constant 3 : i32
        %and3A_819 = arith.andi %add3A_806, %and3A_818 : i32
        %shift_right_logical3A_820 = arith.constant 3 : i32
        %shift_right_logical3A_821 = arith.shrui %shift_right_logical3A_817, %shift_right_logical3A_820 : i32
        %and3A_822 = arith.constant 7 : i32
        %and3A_823 = arith.andi %shift_right_logical3A_817, %and3A_822 : i32
        %dma_start3A_824 = arith.constant 3 : i32
        %dma_start3A_825 = arith.constant 3 : i32
        %dma_start3A_826 = arith.constant 0 : i32
        %dma_start3A_827 = arith.constant 0 : i32
        %dma_start3A_828 = tpu.memref_slice %arg6[%dma_start3A_824, %dma_start3A_826, %dma_start3A_827] : memref<8x128x32xf32, #tpu.memory_space<vmem>> -> memref<1x128x32xf32, #tpu.memory_space<vmem>>
        %dma_start3A_829 = tpu.memref_squeeze %dma_start3A_828 : memref<1x128x32xf32, #tpu.memory_space<vmem>> -> memref<128x32xf32, #tpu.memory_space<vmem>>
        %dma_start3A_830 = arith.constant 0 : i32
        %dma_start3A_831 = tpu.memref_slice %arg5[%shift_right_logical3A_821, %and3A_819, %and3A_823, %dma_start3A_830] : memref<4x4x8x128xi32, #tpu.memory_space<vmem>> -> memref<1x1x1x128xi32, #tpu.memory_space<vmem>>
        %dma_start3A_832 = tpu.memref_squeeze %dma_start3A_831 : memref<1x1x1x128xi32, #tpu.memory_space<vmem>> -> memref<128xi32, #tpu.memory_space<vmem>>
        %dma_start3A_833 = arith.constant 0 : i32
        %dma_start3A_834 = arith.constant 0 : i32
        %dma_start3A_835 = tpu.memref_slice %arg3[%shift_right_logical3A_817, %dma_start3A_833, %dma_start3A_834] : memref<26x100000x32xf32, #tpu.memory_space<hbm>> -> memref<1x100000x32xf32, #tpu.memory_space<hbm>>
        %dma_start3A_836 = tpu.memref_squeeze %dma_start3A_835 : memref<1x100000x32xf32, #tpu.memory_space<hbm>> -> memref<100000x32xf32, #tpu.memory_space<hbm>>
        %dma_start3A_837 = arith.constant 0 : i32
        %dma_start3A_838 = arith.constant 0 : i32
        %dma_start3A_839 = tpu.memref_slice %dma_start3A_836[%dma_start3A_837, %dma_start3A_838] : memref<100000x32xf32, #tpu.memory_space<hbm>> -> memref<100000x32xf32, #tpu.memory_space<hbm>>
        %dma_start3A_840 = tpu.memref_slice %arg7[%dma_start3A_825] : memref<8x!tpu.dma_semaphore, #tpu.memory_space<semaphore_mem>> -> memref<1x!tpu.dma_semaphore, #tpu.memory_space<semaphore_mem>>
        %dma_start3A_841 = tpu.memref_squeeze %dma_start3A_840 : memref<1x!tpu.dma_semaphore, #tpu.memory_space<semaphore_mem>> -> memref<!tpu.dma_semaphore, #tpu.memory_space<semaphore_mem>>
        tpu.enqueue_indirect_dma source(%dma_start3A_839 : memref<100000x32xf32, #tpu.memory_space<hbm>>) target(%dma_start3A_829 : memref<128x32xf32, #tpu.memory_space<vmem>>) offsets(%dma_start3A_832 : memref<128xi32, #tpu.memory_space<vmem>>) semaphore(%dma_start3A_841 : memref<!tpu.dma_semaphore, #tpu.memory_space<semaphore_mem>>)
      } else {
      }
    }
    %scan3A_118 = arith.constant 13 : i32
    %dma_wait3A = arith.constant 0 : i32
    %dma_wait3A_119 = arith.constant 0 : i32
    %dma_wait3A_120 = arith.constant 0 : i32
    %dma_wait3A_121 = arith.constant 0 : i32
    %dma_wait3A_122 = arith.constant 0 : i32
    %dma_wait3A_123 = tpu.memref_slice %arg6[%dma_wait3A_119, %dma_wait3A_121, %dma_wait3A_122] : memref<8x128x32xf32, #tpu.memory_space<vmem>> -> memref<1x128x32xf32, #tpu.memory_space<vmem>>
    %dma_wait3A_124 = tpu.memref_squeeze %dma_wait3A_123 : memref<1x128x32xf32, #tpu.memory_space<vmem>> -> memref<128x32xf32, #tpu.memory_space<vmem>>
    %dma_wait3A_125 = arith.constant 0 : i32
    %dma_wait3A_126 = arith.constant 0 : i32
    %dma_wait3A_127 = tpu.memref_slice %arg3[%dma_wait3A, %dma_wait3A_125, %dma_wait3A_126] : memref<26x100000x32xf32, #tpu.memory_space<hbm>> -> memref<1x100000x32xf32, #tpu.memory_space<hbm>>
    %dma_wait3A_128 = tpu.memref_squeeze %dma_wait3A_127 : memref<1x100000x32xf32, #tpu.memory_space<hbm>> -> memref<100000x32xf32, #tpu.memory_space<hbm>>
    %dma_wait3A_129 = arith.constant 0 : i32
    %dma_wait3A_130 = arith.constant 0 : i32
    %dma_wait3A_131 = tpu.memref_slice %dma_wait3A_128[%dma_wait3A_129, %dma_wait3A_130] : memref<100000x32xf32, #tpu.memory_space<hbm>> -> memref<128x32xf32, #tpu.memory_space<hbm>>
    %dma_wait3A_132 = tpu.memref_slice %arg8[%dma_wait3A_120] : memref<8x!tpu.dma_semaphore, #tpu.memory_space<semaphore_mem>> -> memref<1x!tpu.dma_semaphore, #tpu.memory_space<semaphore_mem>>
    %dma_wait3A_133 = tpu.memref_squeeze %dma_wait3A_132 : memref<1x!tpu.dma_semaphore, #tpu.memory_space<semaphore_mem>> -> memref<!tpu.dma_semaphore, #tpu.memory_space<semaphore_mem>>
    %dma_wait3A_134 = arith.constant 0 : i32
    %dma_wait3A_135 = arith.constant 0 : i32
    %dma_wait3A_136 = tpu.memref_slice %arg6[%dma_wait3A_119, %dma_wait3A_134, %dma_wait3A_135] : memref<8x128x32xf32, #tpu.memory_space<vmem>> -> memref<1x128x32xf32, #tpu.memory_space<vmem>>
    %dma_wait3A_137 = tpu.memref_squeeze %dma_wait3A_136 : memref<1x128x32xf32, #tpu.memory_space<vmem>> -> memref<128x32xf32, #tpu.memory_space<vmem>>
    %dma_wait3A_138 = arith.constant 0 : i32
    %dma_wait3A_139 = arith.constant 0 : i32
    %dma_wait3A_140 = tpu.memref_slice %arg3[%dma_wait3A, %dma_wait3A_138, %dma_wait3A_139] : memref<26x100000x32xf32, #tpu.memory_space<hbm>> -> memref<1x100000x32xf32, #tpu.memory_space<hbm>>
    %dma_wait3A_141 = tpu.memref_squeeze %dma_wait3A_140 : memref<1x100000x32xf32, #tpu.memory_space<hbm>> -> memref<100000x32xf32, #tpu.memory_space<hbm>>
    %dma_wait3A_142 = arith.constant 0 : i32
    %dma_wait3A_143 = arith.constant 0 : i32
    %dma_wait3A_144 = tpu.memref_slice %dma_wait3A_141[%dma_wait3A_142, %dma_wait3A_143] : memref<100000x32xf32, #tpu.memory_space<hbm>> -> memref<128x32xf32, #tpu.memory_space<hbm>>
    tpu.wait_dma2 semaphore(%dma_wait3A_133 : memref<!tpu.dma_semaphore, #tpu.memory_space<semaphore_mem>>) src(%dma_wait3A_144 : memref<128x32xf32, #tpu.memory_space<hbm>>) dst(%dma_wait3A_137 : memref<128x32xf32, #tpu.memory_space<vmem>>)
    %dma_wait3A_145 = arith.constant 0 : i32
    %dma_wait3A_146 = arith.constant 1 : i32
    %dma_wait3A_147 = arith.constant 1 : i32
    %dma_wait3A_148 = arith.constant 0 : i32
    %dma_wait3A_149 = arith.constant 0 : i32
    %dma_wait3A_150 = tpu.memref_slice %arg6[%dma_wait3A_146, %dma_wait3A_148, %dma_wait3A_149] : memref<8x128x32xf32, #tpu.memory_space<vmem>> -> memref<1x128x32xf32, #tpu.memory_space<vmem>>
    %dma_wait3A_151 = tpu.memref_squeeze %dma_wait3A_150 : memref<1x128x32xf32, #tpu.memory_space<vmem>> -> memref<128x32xf32, #tpu.memory_space<vmem>>
    %dma_wait3A_152 = arith.constant 0 : i32
    %dma_wait3A_153 = arith.constant 0 : i32
    %dma_wait3A_154 = tpu.memref_slice %arg3[%dma_wait3A_145, %dma_wait3A_152, %dma_wait3A_153] : memref<26x100000x32xf32, #tpu.memory_space<hbm>> -> memref<1x100000x32xf32, #tpu.memory_space<hbm>>
    %dma_wait3A_155 = tpu.memref_squeeze %dma_wait3A_154 : memref<1x100000x32xf32, #tpu.memory_space<hbm>> -> memref<100000x32xf32, #tpu.memory_space<hbm>>
    %dma_wait3A_156 = arith.constant 0 : i32
    %dma_wait3A_157 = arith.constant 0 : i32
    %dma_wait3A_158 = tpu.memref_slice %dma_wait3A_155[%dma_wait3A_156, %dma_wait3A_157] : memref<100000x32xf32, #tpu.memory_space<hbm>> -> memref<128x32xf32, #tpu.memory_space<hbm>>
    %dma_wait3A_159 = tpu.memref_slice %arg8[%dma_wait3A_147] : memref<8x!tpu.dma_semaphore, #tpu.memory_space<semaphore_mem>> -> memref<1x!tpu.dma_semaphore, #tpu.memory_space<semaphore_mem>>
    %dma_wait3A_160 = tpu.memref_squeeze %dma_wait3A_159 : memref<1x!tpu.dma_semaphore, #tpu.memory_space<semaphore_mem>> -> memref<!tpu.dma_semaphore, #tpu.memory_space<semaphore_mem>>
    %dma_wait3A_161 = arith.constant 0 : i32
    %dma_wait3A_162 = arith.constant 0 : i32
    %dma_wait3A_163 = tpu.memref_slice %arg6[%dma_wait3A_146, %dma_wait3A_161, %dma_wait3A_162] : memref<8x128x32xf32, #tpu.memory_space<vmem>> -> memref<1x128x32xf32, #tpu.memory_space<vmem>>
    %dma_wait3A_164 = tpu.memref_squeeze %dma_wait3A_163 : memref<1x128x32xf32, #tpu.memory_space<vmem>> -> memref<128x32xf32, #tpu.memory_space<vmem>>
    %dma_wait3A_165 = arith.constant 0 : i32
    %dma_wait3A_166 = arith.constant 0 : i32
    %dma_wait3A_167 = tpu.memref_slice %arg3[%dma_wait3A_145, %dma_wait3A_165, %dma_wait3A_166] : memref<26x100000x32xf32, #tpu.memory_space<hbm>> -> memref<1x100000x32xf32, #tpu.memory_space<hbm>>
    %dma_wait3A_168 = tpu.memref_squeeze %dma_wait3A_167 : memref<1x100000x32xf32, #tpu.memory_space<hbm>> -> memref<100000x32xf32, #tpu.memory_space<hbm>>
    %dma_wait3A_169 = arith.constant 0 : i32
    %dma_wait3A_170 = arith.constant 0 : i32
    %dma_wait3A_171 = tpu.memref_slice %dma_wait3A_168[%dma_wait3A_169, %dma_wait3A_170] : memref<100000x32xf32, #tpu.memory_space<hbm>> -> memref<128x32xf32, #tpu.memory_space<hbm>>
    tpu.wait_dma2 semaphore(%dma_wait3A_160 : memref<!tpu.dma_semaphore, #tpu.memory_space<semaphore_mem>>) src(%dma_wait3A_171 : memref<128x32xf32, #tpu.memory_space<hbm>>) dst(%dma_wait3A_164 : memref<128x32xf32, #tpu.memory_space<vmem>>)
    %dma_wait3A_172 = arith.constant 0 : i32
    %dma_wait3A_173 = arith.constant 2 : i32
    %dma_wait3A_174 = arith.constant 2 : i32
    %dma_wait3A_175 = arith.constant 0 : i32
    %dma_wait3A_176 = arith.constant 0 : i32
    %dma_wait3A_177 = tpu.memref_slice %arg6[%dma_wait3A_173, %dma_wait3A_175, %dma_wait3A_176] : memref<8x128x32xf32, #tpu.memory_space<vmem>> -> memref<1x128x32xf32, #tpu.memory_space<vmem>>
    %dma_wait3A_178 = tpu.memref_squeeze %dma_wait3A_177 : memref<1x128x32xf32, #tpu.memory_space<vmem>> -> memref<128x32xf32, #tpu.memory_space<vmem>>
    %dma_wait3A_179 = arith.constant 0 : i32
    %dma_wait3A_180 = arith.constant 0 : i32
    %dma_wait3A_181 = tpu.memref_slice %arg3[%dma_wait3A_172, %dma_wait3A_179, %dma_wait3A_180] : memref<26x100000x32xf32, #tpu.memory_space<hbm>> -> memref<1x100000x32xf32, #tpu.memory_space<hbm>>
    %dma_wait3A_182 = tpu.memref_squeeze %dma_wait3A_181 : memref<1x100000x32xf32, #tpu.memory_space<hbm>> -> memref<100000x32xf32, #tpu.memory_space<hbm>>
    %dma_wait3A_183 = arith.constant 0 : i32
    %dma_wait3A_184 = arith.constant 0 : i32
    %dma_wait3A_185 = tpu.memref_slice %dma_wait3A_182[%dma_wait3A_183, %dma_wait3A_184] : memref<100000x32xf32, #tpu.memory_space<hbm>> -> memref<128x32xf32, #tpu.memory_space<hbm>>
    %dma_wait3A_186 = tpu.memref_slice %arg8[%dma_wait3A_174] : memref<8x!tpu.dma_semaphore, #tpu.memory_space<semaphore_mem>> -> memref<1x!tpu.dma_semaphore, #tpu.memory_space<semaphore_mem>>
    %dma_wait3A_187 = tpu.memref_squeeze %dma_wait3A_186 : memref<1x!tpu.dma_semaphore, #tpu.memory_space<semaphore_mem>> -> memref<!tpu.dma_semaphore, #tpu.memory_space<semaphore_mem>>
    %dma_wait3A_188 = arith.constant 0 : i32
    %dma_wait3A_189 = arith.constant 0 : i32
    %dma_wait3A_190 = tpu.memref_slice %arg6[%dma_wait3A_173, %dma_wait3A_188, %dma_wait3A_189] : memref<8x128x32xf32, #tpu.memory_space<vmem>> -> memref<1x128x32xf32, #tpu.memory_space<vmem>>
    %dma_wait3A_191 = tpu.memref_squeeze %dma_wait3A_190 : memref<1x128x32xf32, #tpu.memory_space<vmem>> -> memref<128x32xf32, #tpu.memory_space<vmem>>
    %dma_wait3A_192 = arith.constant 0 : i32
    %dma_wait3A_193 = arith.constant 0 : i32
    %dma_wait3A_194 = tpu.memref_slice %arg3[%dma_wait3A_172, %dma_wait3A_192, %dma_wait3A_193] : memref<26x100000x32xf32, #tpu.memory_space<hbm>> -> memref<1x100000x32xf32, #tpu.memory_space<hbm>>
    %dma_wait3A_195 = tpu.memref_squeeze %dma_wait3A_194 : memref<1x100000x32xf32, #tpu.memory_space<hbm>> -> memref<100000x32xf32, #tpu.memory_space<hbm>>
    %dma_wait3A_196 = arith.constant 0 : i32
    %dma_wait3A_197 = arith.constant 0 : i32
    %dma_wait3A_198 = tpu.memref_slice %dma_wait3A_195[%dma_wait3A_196, %dma_wait3A_197] : memref<100000x32xf32, #tpu.memory_space<hbm>> -> memref<128x32xf32, #tpu.memory_space<hbm>>
    tpu.wait_dma2 semaphore(%dma_wait3A_187 : memref<!tpu.dma_semaphore, #tpu.memory_space<semaphore_mem>>) src(%dma_wait3A_198 : memref<128x32xf32, #tpu.memory_space<hbm>>) dst(%dma_wait3A_191 : memref<128x32xf32, #tpu.memory_space<vmem>>)
    %dma_wait3A_199 = arith.constant 0 : i32
    %dma_wait3A_200 = arith.constant 3 : i32
    %dma_wait3A_201 = arith.constant 3 : i32
    %dma_wait3A_202 = arith.constant 0 : i32
    %dma_wait3A_203 = arith.constant 0 : i32
    %dma_wait3A_204 = tpu.memref_slice %arg6[%dma_wait3A_200, %dma_wait3A_202, %dma_wait3A_203] : memref<8x128x32xf32, #tpu.memory_space<vmem>> -> memref<1x128x32xf32, #tpu.memory_space<vmem>>
    %dma_wait3A_205 = tpu.memref_squeeze %dma_wait3A_204 : memref<1x128x32xf32, #tpu.memory_space<vmem>> -> memref<128x32xf32, #tpu.memory_space<vmem>>
    %dma_wait3A_206 = arith.constant 0 : i32
    %dma_wait3A_207 = arith.constant 0 : i32
    %dma_wait3A_208 = tpu.memref_slice %arg3[%dma_wait3A_199, %dma_wait3A_206, %dma_wait3A_207] : memref<26x100000x32xf32, #tpu.memory_space<hbm>> -> memref<1x100000x32xf32, #tpu.memory_space<hbm>>
    %dma_wait3A_209 = tpu.memref_squeeze %dma_wait3A_208 : memref<1x100000x32xf32, #tpu.memory_space<hbm>> -> memref<100000x32xf32, #tpu.memory_space<hbm>>
    %dma_wait3A_210 = arith.constant 0 : i32
    %dma_wait3A_211 = arith.constant 0 : i32
    %dma_wait3A_212 = tpu.memref_slice %dma_wait3A_209[%dma_wait3A_210, %dma_wait3A_211] : memref<100000x32xf32, #tpu.memory_space<hbm>> -> memref<128x32xf32, #tpu.memory_space<hbm>>
    %dma_wait3A_213 = tpu.memref_slice %arg8[%dma_wait3A_201] : memref<8x!tpu.dma_semaphore, #tpu.memory_space<semaphore_mem>> -> memref<1x!tpu.dma_semaphore, #tpu.memory_space<semaphore_mem>>
    %dma_wait3A_214 = tpu.memref_squeeze %dma_wait3A_213 : memref<1x!tpu.dma_semaphore, #tpu.memory_space<semaphore_mem>> -> memref<!tpu.dma_semaphore, #tpu.memory_space<semaphore_mem>>
    %dma_wait3A_215 = arith.constant 0 : i32
    %dma_wait3A_216 = arith.constant 0 : i32
    %dma_wait3A_217 = tpu.memref_slice %arg6[%dma_wait3A_200, %dma_wait3A_215, %dma_wait3A_216] : memref<8x128x32xf32, #tpu.memory_space<vmem>> -> memref<1x128x32xf32, #tpu.memory_space<vmem>>
    %dma_wait3A_218 = tpu.memref_squeeze %dma_wait3A_217 : memref<1x128x32xf32, #tpu.memory_space<vmem>> -> memref<128x32xf32, #tpu.memory_space<vmem>>
    %dma_wait3A_219 = arith.constant 0 : i32
    %dma_wait3A_220 = arith.constant 0 : i32
    %dma_wait3A_221 = tpu.memref_slice %arg3[%dma_wait3A_199, %dma_wait3A_219, %dma_wait3A_220] : memref<26x100000x32xf32, #tpu.memory_space<hbm>> -> memref<1x100000x32xf32, #tpu.memory_space<hbm>>
    %dma_wait3A_222 = tpu.memref_squeeze %dma_wait3A_221 : memref<1x100000x32xf32, #tpu.memory_space<hbm>> -> memref<100000x32xf32, #tpu.memory_space<hbm>>
    %dma_wait3A_223 = arith.constant 0 : i32
    %dma_wait3A_224 = arith.constant 0 : i32
    %dma_wait3A_225 = tpu.memref_slice %dma_wait3A_222[%dma_wait3A_223, %dma_wait3A_224] : memref<100000x32xf32, #tpu.memory_space<hbm>> -> memref<128x32xf32, #tpu.memory_space<hbm>>
    tpu.wait_dma2 semaphore(%dma_wait3A_214 : memref<!tpu.dma_semaphore, #tpu.memory_space<semaphore_mem>>) src(%dma_wait3A_225 : memref<128x32xf32, #tpu.memory_space<hbm>>) dst(%dma_wait3A_218 : memref<128x32xf32, #tpu.memory_space<vmem>>)
    %dma_wait3A_226 = arith.constant 0 : i32
    %dma_wait3A_227 = arith.constant 4 : i32
    %dma_wait3A_228 = arith.constant 4 : i32
    %dma_wait3A_229 = arith.constant 0 : i32
    %dma_wait3A_230 = arith.constant 0 : i32
    %dma_wait3A_231 = tpu.memref_slice %arg6[%dma_wait3A_227, %dma_wait3A_229, %dma_wait3A_230] : memref<8x128x32xf32, #tpu.memory_space<vmem>> -> memref<1x128x32xf32, #tpu.memory_space<vmem>>
    %dma_wait3A_232 = tpu.memref_squeeze %dma_wait3A_231 : memref<1x128x32xf32, #tpu.memory_space<vmem>> -> memref<128x32xf32, #tpu.memory_space<vmem>>
    %dma_wait3A_233 = arith.constant 0 : i32
    %dma_wait3A_234 = arith.constant 0 : i32
    %dma_wait3A_235 = tpu.memref_slice %arg3[%dma_wait3A_226, %dma_wait3A_233, %dma_wait3A_234] : memref<26x100000x32xf32, #tpu.memory_space<hbm>> -> memref<1x100000x32xf32, #tpu.memory_space<hbm>>
    %dma_wait3A_236 = tpu.memref_squeeze %dma_wait3A_235 : memref<1x100000x32xf32, #tpu.memory_space<hbm>> -> memref<100000x32xf32, #tpu.memory_space<hbm>>
    %dma_wait3A_237 = arith.constant 0 : i32
    %dma_wait3A_238 = arith.constant 0 : i32
    %dma_wait3A_239 = tpu.memref_slice %dma_wait3A_236[%dma_wait3A_237, %dma_wait3A_238] : memref<100000x32xf32, #tpu.memory_space<hbm>> -> memref<128x32xf32, #tpu.memory_space<hbm>>
    %dma_wait3A_240 = tpu.memref_slice %arg8[%dma_wait3A_228] : memref<8x!tpu.dma_semaphore, #tpu.memory_space<semaphore_mem>> -> memref<1x!tpu.dma_semaphore, #tpu.memory_space<semaphore_mem>>
    %dma_wait3A_241 = tpu.memref_squeeze %dma_wait3A_240 : memref<1x!tpu.dma_semaphore, #tpu.memory_space<semaphore_mem>> -> memref<!tpu.dma_semaphore, #tpu.memory_space<semaphore_mem>>
    %dma_wait3A_242 = arith.constant 0 : i32
    %dma_wait3A_243 = arith.constant 0 : i32
    %dma_wait3A_244 = tpu.memref_slice %arg6[%dma_wait3A_227, %dma_wait3A_242, %dma_wait3A_243] : memref<8x128x32xf32, #tpu.memory_space<vmem>> -> memref<1x128x32xf32, #tpu.memory_space<vmem>>
    %dma_wait3A_245 = tpu.memref_squeeze %dma_wait3A_244 : memref<1x128x32xf32, #tpu.memory_space<vmem>> -> memref<128x32xf32, #tpu.memory_space<vmem>>
    %dma_wait3A_246 = arith.constant 0 : i32
    %dma_wait3A_247 = arith.constant 0 : i32
    %dma_wait3A_248 = tpu.memref_slice %arg3[%dma_wait3A_226, %dma_wait3A_246, %dma_wait3A_247] : memref<26x100000x32xf32, #tpu.memory_space<hbm>> -> memref<1x100000x32xf32, #tpu.memory_space<hbm>>
    %dma_wait3A_249 = tpu.memref_squeeze %dma_wait3A_248 : memref<1x100000x32xf32, #tpu.memory_space<hbm>> -> memref<100000x32xf32, #tpu.memory_space<hbm>>
    %dma_wait3A_250 = arith.constant 0 : i32
    %dma_wait3A_251 = arith.constant 0 : i32
    %dma_wait3A_252 = tpu.memref_slice %dma_wait3A_249[%dma_wait3A_250, %dma_wait3A_251] : memref<100000x32xf32, #tpu.memory_space<hbm>> -> memref<128x32xf32, #tpu.memory_space<hbm>>
    tpu.wait_dma2 semaphore(%dma_wait3A_241 : memref<!tpu.dma_semaphore, #tpu.memory_space<semaphore_mem>>) src(%dma_wait3A_252 : memref<128x32xf32, #tpu.memory_space<hbm>>) dst(%dma_wait3A_245 : memref<128x32xf32, #tpu.memory_space<vmem>>)
    %dma_wait3A_253 = arith.constant 0 : i32
    %dma_wait3A_254 = arith.constant 5 : i32
    %dma_wait3A_255 = arith.constant 5 : i32
    %dma_wait3A_256 = arith.constant 0 : i32
    %dma_wait3A_257 = arith.constant 0 : i32
    %dma_wait3A_258 = tpu.memref_slice %arg6[%dma_wait3A_254, %dma_wait3A_256, %dma_wait3A_257] : memref<8x128x32xf32, #tpu.memory_space<vmem>> -> memref<1x128x32xf32, #tpu.memory_space<vmem>>
    %dma_wait3A_259 = tpu.memref_squeeze %dma_wait3A_258 : memref<1x128x32xf32, #tpu.memory_space<vmem>> -> memref<128x32xf32, #tpu.memory_space<vmem>>
    %dma_wait3A_260 = arith.constant 0 : i32
    %dma_wait3A_261 = arith.constant 0 : i32
    %dma_wait3A_262 = tpu.memref_slice %arg3[%dma_wait3A_253, %dma_wait3A_260, %dma_wait3A_261] : memref<26x100000x32xf32, #tpu.memory_space<hbm>> -> memref<1x100000x32xf32, #tpu.memory_space<hbm>>
    %dma_wait3A_263 = tpu.memref_squeeze %dma_wait3A_262 : memref<1x100000x32xf32, #tpu.memory_space<hbm>> -> memref<100000x32xf32, #tpu.memory_space<hbm>>
    %dma_wait3A_264 = arith.constant 0 : i32
    %dma_wait3A_265 = arith.constant 0 : i32
    %dma_wait3A_266 = tpu.memref_slice %dma_wait3A_263[%dma_wait3A_264, %dma_wait3A_265] : memref<100000x32xf32, #tpu.memory_space<hbm>> -> memref<128x32xf32, #tpu.memory_space<hbm>>
    %dma_wait3A_267 = tpu.memref_slice %arg8[%dma_wait3A_255] : memref<8x!tpu.dma_semaphore, #tpu.memory_space<semaphore_mem>> -> memref<1x!tpu.dma_semaphore, #tpu.memory_space<semaphore_mem>>
    %dma_wait3A_268 = tpu.memref_squeeze %dma_wait3A_267 : memref<1x!tpu.dma_semaphore, #tpu.memory_space<semaphore_mem>> -> memref<!tpu.dma_semaphore, #tpu.memory_space<semaphore_mem>>
    %dma_wait3A_269 = arith.constant 0 : i32
    %dma_wait3A_270 = arith.constant 0 : i32
    %dma_wait3A_271 = tpu.memref_slice %arg6[%dma_wait3A_254, %dma_wait3A_269, %dma_wait3A_270] : memref<8x128x32xf32, #tpu.memory_space<vmem>> -> memref<1x128x32xf32, #tpu.memory_space<vmem>>
    %dma_wait3A_272 = tpu.memref_squeeze %dma_wait3A_271 : memref<1x128x32xf32, #tpu.memory_space<vmem>> -> memref<128x32xf32, #tpu.memory_space<vmem>>
    %dma_wait3A_273 = arith.constant 0 : i32
    %dma_wait3A_274 = arith.constant 0 : i32
    %dma_wait3A_275 = tpu.memref_slice %arg3[%dma_wait3A_253, %dma_wait3A_273, %dma_wait3A_274] : memref<26x100000x32xf32, #tpu.memory_space<hbm>> -> memref<1x100000x32xf32, #tpu.memory_space<hbm>>
    %dma_wait3A_276 = tpu.memref_squeeze %dma_wait3A_275 : memref<1x100000x32xf32, #tpu.memory_space<hbm>> -> memref<100000x32xf32, #tpu.memory_space<hbm>>
    %dma_wait3A_277 = arith.constant 0 : i32
    %dma_wait3A_278 = arith.constant 0 : i32
    %dma_wait3A_279 = tpu.memref_slice %dma_wait3A_276[%dma_wait3A_277, %dma_wait3A_278] : memref<100000x32xf32, #tpu.memory_space<hbm>> -> memref<128x32xf32, #tpu.memory_space<hbm>>
    tpu.wait_dma2 semaphore(%dma_wait3A_268 : memref<!tpu.dma_semaphore, #tpu.memory_space<semaphore_mem>>) src(%dma_wait3A_279 : memref<128x32xf32, #tpu.memory_space<hbm>>) dst(%dma_wait3A_272 : memref<128x32xf32, #tpu.memory_space<vmem>>)
    %dma_wait3A_280 = arith.constant 0 : i32
    %dma_wait3A_281 = arith.constant 6 : i32
    %dma_wait3A_282 = arith.constant 6 : i32
    %dma_wait3A_283 = arith.constant 0 : i32
    %dma_wait3A_284 = arith.constant 0 : i32
    %dma_wait3A_285 = tpu.memref_slice %arg6[%dma_wait3A_281, %dma_wait3A_283, %dma_wait3A_284] : memref<8x128x32xf32, #tpu.memory_space<vmem>> -> memref<1x128x32xf32, #tpu.memory_space<vmem>>
    %dma_wait3A_286 = tpu.memref_squeeze %dma_wait3A_285 : memref<1x128x32xf32, #tpu.memory_space<vmem>> -> memref<128x32xf32, #tpu.memory_space<vmem>>
    %dma_wait3A_287 = arith.constant 0 : i32
    %dma_wait3A_288 = arith.constant 0 : i32
    %dma_wait3A_289 = tpu.memref_slice %arg3[%dma_wait3A_280, %dma_wait3A_287, %dma_wait3A_288] : memref<26x100000x32xf32, #tpu.memory_space<hbm>> -> memref<1x100000x32xf32, #tpu.memory_space<hbm>>
    %dma_wait3A_290 = tpu.memref_squeeze %dma_wait3A_289 : memref<1x100000x32xf32, #tpu.memory_space<hbm>> -> memref<100000x32xf32, #tpu.memory_space<hbm>>
    %dma_wait3A_291 = arith.constant 0 : i32
    %dma_wait3A_292 = arith.constant 0 : i32
    %dma_wait3A_293 = tpu.memref_slice %dma_wait3A_290[%dma_wait3A_291, %dma_wait3A_292] : memref<100000x32xf32, #tpu.memory_space<hbm>> -> memref<128x32xf32, #tpu.memory_space<hbm>>
    %dma_wait3A_294 = tpu.memref_slice %arg8[%dma_wait3A_282] : memref<8x!tpu.dma_semaphore, #tpu.memory_space<semaphore_mem>> -> memref<1x!tpu.dma_semaphore, #tpu.memory_space<semaphore_mem>>
    %dma_wait3A_295 = tpu.memref_squeeze %dma_wait3A_294 : memref<1x!tpu.dma_semaphore, #tpu.memory_space<semaphore_mem>> -> memref<!tpu.dma_semaphore, #tpu.memory_space<semaphore_mem>>
    %dma_wait3A_296 = arith.constant 0 : i32
    %dma_wait3A_297 = arith.constant 0 : i32
    %dma_wait3A_298 = tpu.memref_slice %arg6[%dma_wait3A_281, %dma_wait3A_296, %dma_wait3A_297] : memref<8x128x32xf32, #tpu.memory_space<vmem>> -> memref<1x128x32xf32, #tpu.memory_space<vmem>>
    %dma_wait3A_299 = tpu.memref_squeeze %dma_wait3A_298 : memref<1x128x32xf32, #tpu.memory_space<vmem>> -> memref<128x32xf32, #tpu.memory_space<vmem>>
    %dma_wait3A_300 = arith.constant 0 : i32
    %dma_wait3A_301 = arith.constant 0 : i32
    %dma_wait3A_302 = tpu.memref_slice %arg3[%dma_wait3A_280, %dma_wait3A_300, %dma_wait3A_301] : memref<26x100000x32xf32, #tpu.memory_space<hbm>> -> memref<1x100000x32xf32, #tpu.memory_space<hbm>>
    %dma_wait3A_303 = tpu.memref_squeeze %dma_wait3A_302 : memref<1x100000x32xf32, #tpu.memory_space<hbm>> -> memref<100000x32xf32, #tpu.memory_space<hbm>>
    %dma_wait3A_304 = arith.constant 0 : i32
    %dma_wait3A_305 = arith.constant 0 : i32
    %dma_wait3A_306 = tpu.memref_slice %dma_wait3A_303[%dma_wait3A_304, %dma_wait3A_305] : memref<100000x32xf32, #tpu.memory_space<hbm>> -> memref<128x32xf32, #tpu.memory_space<hbm>>
    tpu.wait_dma2 semaphore(%dma_wait3A_295 : memref<!tpu.dma_semaphore, #tpu.memory_space<semaphore_mem>>) src(%dma_wait3A_306 : memref<128x32xf32, #tpu.memory_space<hbm>>) dst(%dma_wait3A_299 : memref<128x32xf32, #tpu.memory_space<vmem>>)
    %dma_wait3A_307 = arith.constant 0 : i32
    %dma_wait3A_308 = arith.constant 7 : i32
    %dma_wait3A_309 = arith.constant 7 : i32
    %dma_wait3A_310 = arith.constant 0 : i32
    %dma_wait3A_311 = arith.constant 0 : i32
    %dma_wait3A_312 = tpu.memref_slice %arg6[%dma_wait3A_308, %dma_wait3A_310, %dma_wait3A_311] : memref<8x128x32xf32, #tpu.memory_space<vmem>> -> memref<1x128x32xf32, #tpu.memory_space<vmem>>
    %dma_wait3A_313 = tpu.memref_squeeze %dma_wait3A_312 : memref<1x128x32xf32, #tpu.memory_space<vmem>> -> memref<128x32xf32, #tpu.memory_space<vmem>>
    %dma_wait3A_314 = arith.constant 0 : i32
    %dma_wait3A_315 = arith.constant 0 : i32
    %dma_wait3A_316 = tpu.memref_slice %arg3[%dma_wait3A_307, %dma_wait3A_314, %dma_wait3A_315] : memref<26x100000x32xf32, #tpu.memory_space<hbm>> -> memref<1x100000x32xf32, #tpu.memory_space<hbm>>
    %dma_wait3A_317 = tpu.memref_squeeze %dma_wait3A_316 : memref<1x100000x32xf32, #tpu.memory_space<hbm>> -> memref<100000x32xf32, #tpu.memory_space<hbm>>
    %dma_wait3A_318 = arith.constant 0 : i32
    %dma_wait3A_319 = arith.constant 0 : i32
    %dma_wait3A_320 = tpu.memref_slice %dma_wait3A_317[%dma_wait3A_318, %dma_wait3A_319] : memref<100000x32xf32, #tpu.memory_space<hbm>> -> memref<128x32xf32, #tpu.memory_space<hbm>>
    %dma_wait3A_321 = tpu.memref_slice %arg8[%dma_wait3A_309] : memref<8x!tpu.dma_semaphore, #tpu.memory_space<semaphore_mem>> -> memref<1x!tpu.dma_semaphore, #tpu.memory_space<semaphore_mem>>
    %dma_wait3A_322 = tpu.memref_squeeze %dma_wait3A_321 : memref<1x!tpu.dma_semaphore, #tpu.memory_space<semaphore_mem>> -> memref<!tpu.dma_semaphore, #tpu.memory_space<semaphore_mem>>
    %dma_wait3A_323 = arith.constant 0 : i32
    %dma_wait3A_324 = arith.constant 0 : i32
    %dma_wait3A_325 = tpu.memref_slice %arg6[%dma_wait3A_308, %dma_wait3A_323, %dma_wait3A_324] : memref<8x128x32xf32, #tpu.memory_space<vmem>> -> memref<1x128x32xf32, #tpu.memory_space<vmem>>
    %dma_wait3A_326 = tpu.memref_squeeze %dma_wait3A_325 : memref<1x128x32xf32, #tpu.memory_space<vmem>> -> memref<128x32xf32, #tpu.memory_space<vmem>>
    %dma_wait3A_327 = arith.constant 0 : i32
    %dma_wait3A_328 = arith.constant 0 : i32
    %dma_wait3A_329 = tpu.memref_slice %arg3[%dma_wait3A_307, %dma_wait3A_327, %dma_wait3A_328] : memref<26x100000x32xf32, #tpu.memory_space<hbm>> -> memref<1x100000x32xf32, #tpu.memory_space<hbm>>
    %dma_wait3A_330 = tpu.memref_squeeze %dma_wait3A_329 : memref<1x100000x32xf32, #tpu.memory_space<hbm>> -> memref<100000x32xf32, #tpu.memory_space<hbm>>
    %dma_wait3A_331 = arith.constant 0 : i32
    %dma_wait3A_332 = arith.constant 0 : i32
    %dma_wait3A_333 = tpu.memref_slice %dma_wait3A_330[%dma_wait3A_331, %dma_wait3A_332] : memref<100000x32xf32, #tpu.memory_space<hbm>> -> memref<128x32xf32, #tpu.memory_space<hbm>>
    tpu.wait_dma2 semaphore(%dma_wait3A_322 : memref<!tpu.dma_semaphore, #tpu.memory_space<semaphore_mem>>) src(%dma_wait3A_333 : memref<128x32xf32, #tpu.memory_space<hbm>>) dst(%dma_wait3A_326 : memref<128x32xf32, #tpu.memory_space<vmem>>)
    return
  }
}

</mosaic_0001>

<sc_bundles>
// kernel: kernel.3.cloned.1.call-start
scs
__scs_entry_jumppad:
0x0: {  	(pc) =	sbr.rel $0x88, $3  }
0x1: {  	(tag) =	ssettag $0x0;
	lr =	simm.s32 $0x1  }
0x2: {  	[smem:$0x3F9F] =	sst lr;
	_ =	strace $0xD0000000  }
0x3: {  	_ = 	snop  }
0x4: {  	_ = 	snop  }
0x5: {  	_ = 	snop  }
0x6: {  	_ = 	snop  }
0x7: {  	_ = 	snop  }
__scs_overlays_trampoline_lowered:
0x8: {  	[smem:$0x3FAE] =	sst s0  }
0x9: {  	[smem:$0x3FAF] =	sst s1  }
0xa: {  	[smem:$0x3FB0] =	sst s2  }
0xb: {  	[smem:$0x3FB1] =	sst s3  }
0xc: {  	[smem:$0x3FB2] =	sst s4  }
0xd: {  	[smem:$0x3FB3] =	sst s5  }
0xe: {  	[smem:$0x3FB4] =	sst s6  }
0xf: {  	[smem:$0x3FB5] =	sst s7  }
0x10: {  	[smem:$0x3FB6] =	sst s8  }
0x11: {  	[smem:$0x3FB7] =	sst s9;
	s0 =	simm.s32 @!p0 $0x0  }
0x12: {  	s1 =	sld [smem:$0x3F9D];
	s0 =	simm.s32 @p0 $0x1  }
0x13: {  	[smem:$0x3FB8] =	sst s0;
	s0 =	simm.s32 @!p1 $0x0  }
0x14: {  	s2 =	sld [smem:$0x3F9C];
	s0 =	simm.s32 @p1 $0x1  }
0x15: {  	[smem:$0x3FB9] =	sst s0;
	s0 =	simm.s32 @!p2 $0x0  }
0x16: {  	s3 =	sld [smem:$0x3FDB];
	s0 =	simm.s32 @p2 $0x1  }
0x17: {  	s4 =	simm.s32 $0x1BF5;
	[smem:$0x3FBB] =	sst s0  }
0x18: {  	s0 =	sld [smem:$0x3F9E];
	_ =	swait.ge [sflag:s4], $0x0  }
0x19: {  	s7 =	sld [smem:$0x3F9F]  }
0x1a: {  	s8 =	sadd.s32 $0xFFFFE003, lr  }
0x1b: {  	s9 =	sadd.s32 $0xFFFFFEF7, lr;
	s5 =	simm.s32 $0xFFFFFFFF;
	p2 =	slt.u32 s8, $0xFFFFF086  }
0x1c: {  	p1 =	slt.u32 s9, $0xF7A;
	s5 =	simm.s32 @!p2 $0x0  }
0x1d: {  	s5 =	simm.s32 @p1 $0x1;
	p0 =	seq.s32 s7, s2  }
0x1e: {  	s7 =	smul.u32 @!p0 $0xF7A, s2;
	p2 =	seq.s32 @!p0 s5, $0x0  }
0x1f: {  	s9 =	smul.u32 $0xF7A, s1;
	s8 =	simm.s32 @!p0 $0x1BF5;
	p2 =	por !p2, p0  }
0x20: {  	[sflag:s8] =	ssyncset.s32 @!p0 $0xFFFFF086;
	s6 =	sadd.s32 @!p0 s3, s7;
	s7 =	simm.s32 @!p0 $0x108  }
0x21: {  	s3 =	sadd.s32 s3, s9;
	s6 =	sadd.s32 @!p0 $0x88, s6;
	s7 =	simm.s32 @p2 $0x1082  }
0x22: {  	[simem:s7], [sflag:s8] =	dma.local @!p0 [hbm:s6], $0xF7A  }
0x23: {  	s9 =	sor.u32 $0xD0000000, s2;
	s6 =	simm.s32 $0x108;
	_ =	swait.ge @!p0 [sflag:s8], $0x0  }
0x24: {  	s3 =	sadd.s32 $0x88, s3;
	s6 =	simm.s32 @!p1 $0x1082;
	[sflag:s4] =	ssyncset.s32 $0xFFFFF086  }
0x25: {  	[simem:s6], [sflag:s4] =	dma.local [hbm:s3], $0xF7A  }
0x26: {  	[smem:$0x3F9F] =	sst s1;
	(tag) =	ssettag s2;
	_ =	strace s9  }
0x27: {  	s1 =	sld [smem:$0x3FAF]  }
0x28: {  	s2 =	sld [smem:$0x3FB0]  }
0x29: {  	s4 =	sld [smem:$0x3FB2]  }
0x2a: {  	p0 =	seq.s32 s5, $0x0;
	s5 =	sld [smem:$0x3FB3]  }
0x2b: {  	s6 =	sld [smem:$0x3FB4]  }
0x2c: {  	s7 =	sld [smem:$0x3FB5]  }
0x2d: {  	s3 =	simm.s32 $0x108;
	s8 =	sld [smem:$0x3FB6]  }
0x2e: {  	s3 =	simm.s32 @!p0 $0x1082;
	s9 =	sld [smem:$0x3FB7]  }
0x2f: {  	lr =	sadd.s32 s0, s3;
	s0 =	sld [smem:$0x3FAE]  }
0x30: {  	s3 =	sld [smem:$0x3FB1]  }
0x31: {  	[smem:$0x3FBA] =	sst s10  }
0x32: {  	s10 =	sld [smem:$0x3FB8];
	_ =	sdelay $0x3  }
0x33: {  	p0 =	seq.s32 s10, $0x1;
	s10 =	sld [smem:$0x3FBA];
	_ =	sdelay $0x3  }
0x34: {  	[smem:$0x3FBA] =	sst s10  }
0x35: {  	s10 =	sld [smem:$0x3FB9];
	_ =	sdelay $0x3  }
0x36: {  	p1 =	seq.s32 s10, $0x1;
	s10 =	sld [smem:$0x3FBA];
	_ =	sdelay $0x3  }
0x37: {  	[smem:$0x3FBA] =	sst s10  }
0x38: {  	s10 =	sld [smem:$0x3FBB]  }
0x39: {  	_ = 	snop;
	(pc) =	sbr.ind lr, $3  }
0x3a: {  	_ = 	snop  }
0x3b: {  	_ = 	snop  }
0x3c: {  	p2 =	seq.s32 s10, $0x1;
	s10 =	sld [smem:$0x3FBA]  }
0x3d: {  	_ =	shalt  }
0x3e: {  	_ =	shalt  }
0x3f: {  	_ =	shalt  }
0x40: {  	_ =	shalt  }
0x41: {  	_ =	shalt  }
0x42: {  	_ =	shalt  }
0x43: {  	_ =	shalt  }
0x44: {  	_ =	shalt  }
0x45: {  	_ =	shalt  }
0x46: {  	_ =	shalt  }
0x47: {  	_ =	shalt  }
0x48: {  	_ =	shalt  }
0x49: {  	_ =	shalt  }
0x4a: {  	_ =	shalt  }
0x4b: {  	_ =	shalt  }
0x4c: {  	_ =	shalt  }
0x4d: {  	_ =	shalt  }
0x4e: {  	_ =	shalt  }
0x4f: {  	_ =	shalt  }
0x50: {  	_ =	shalt  }
0x51: {  	_ =	shalt  }
0x52: {  	_ =	shalt  }
0x53: {  	_ =	shalt  }
0x54: {  	_ =	shalt  }
0x55: {  	_ =	shalt  }
0x56: {  	_ =	shalt  }
0x57: {  	_ =	shalt  }
0x58: {  	_ =	shalt  }
0x59: {  	_ =	shalt  }
0x5a: {  	_ =	shalt  }
0x5b: {  	_ =	shalt  }
0x5c: {  	_ =	shalt  }
0x5d: {  	_ =	shalt  }
0x5e: {  	_ =	shalt  }
0x5f: {  	_ =	shalt  }
0x60: {  	_ =	shalt  }
0x61: {  	_ =	shalt  }
0x62: {  	_ =	shalt  }
0x63: {  	_ =	shalt  }
0x64: {  	_ =	shalt  }
0x65: {  	_ =	shalt  }
0x66: {  	_ =	shalt  }
0x67: {  	_ =	shalt  }
0x68: {  	_ =	shalt  }
0x69: {  	_ =	shalt  }
0x6a: {  	_ =	shalt  }
0x6b: {  	_ =	shalt  }
0x6c: {  	_ =	shalt  }
0x6d: {  	_ =	shalt  }
0x6e: {  	_ =	shalt  }
0x6f: {  	_ =	shalt  }
0x70: {  	_ =	shalt  }
0x71: {  	_ =	shalt  }
0x72: {  	_ =	shalt  }
0x73: {  	_ =	shalt  }
0x74: {  	_ =	shalt  }
0x75: {  	_ =	shalt  }
0x76: {  	_ =	shalt  }
0x77: {  	_ =	shalt  }
0x78: {  	_ =	shalt  }
0x79: {  	_ =	shalt  }
0x7a: {  	_ =	shalt  }
0x7b: {  	_ =	shalt  }
0x7c: {  	_ =	shalt  }
0x7d: {  	_ =	shalt  }
0x7e: {  	_ =	shalt  }
0x7f: {  	_ =	shalt  }
0x80: {  	_ =	shalt  }
0x81: {  	_ =	shalt  }
0x82: {  	_ =	shalt  }
0x83: {  	_ =	shalt  }
0x84: {  	_ =	shalt  }
0x85: {  	_ =	shalt  }
0x86: {  	_ =	shalt  }
0x87: {  	_ =	shalt  }
.Lfunc_end0:
.L_simem_size_0:
called_computation.1_lowered:
.L_overlay_start_0:
0x88: {  	s2 =	sld [smem:$0x3FD9]  }
0x89: {  	s3 =	sld [smem:$0x3FFE];
	_ =	sdelay $0x1  }
0x8a: {  	s1 =	srdreg.scid  }
0x8b: {  	s0 =	sand.u32 $0x1, s1  }
0x8c: {  	s17 =	sshll.u32 s0, $0xA;
	s2 =	sadd.s32 s3, s2  }
0x8d: {  	s2 =	sadd.s32 s2, s17  }
0x8e: {  	[smem:$0x3FC6] =	sst s2  }
0x8f: {  	_ = 	snop  }
0x90: {  	s2 =	sld [smem:$0x3FD0];
	(tm) =	ssettm $0x1  }
0x91: {  	s18 =	sld [smem:$0x3FFB];
	_ =	sdelay $0x3  }
0x92: {  	_ =	strace s18  }
0x93: {  	s3 =	sld [smem:$0x3FFC];
	_ =	sdelay $0x3  }
0x94: {  	_ =	strace s3  }
0x95: {  	s3 =	sld [smem:$0x3FFD];
	_ =	sdelay $0x3  }
0x96: {  	_ =	strace s3  }
0x97: {  	_ =	strace $0x8FFFFFFF  }
0x98: {  	s19 =	sld [smem:$0x3FDB];
	_ =	sdelay $0x1  }
0x99: {  	s4 =	simm.s32 $_scs_section_size  }
0x9a: {  	s5 =	simm.s32 $_size__tile_overlayer_lowered;
	s6 =	simm.s32 $_tile_overlayer_lowered  }
0x9b: {  	s22 =	simm.s32 $0x1BFF;
	s21 =	sshll.u32 s6, $0x1;
	s3 =	sadd.s32 s4, s19  }
0x9c: {  	s7 =	simm.s32 $0x0;
	s20 =	sshll.u32 s5, $0x1;
	s5 =	sadd.s32 s21, s3  }
0x9d: {  	[timem:s7], [sflag:s22] =	dma.local [hbm:s5], s20  }
0x9e: {  	_ =	swait.ge [sflag:s22], s20  }
0x9f: {  	s4 =	ssub.s32 $0x0, s20;
	[sflag:s22] =	ssyncset.done $0x0  }
0xa0: {  	[sflag:s22] =	ssyncadd.s32 s4;
	_ =	sdelay $0x1  }
0xa1: {  	s23 =	simm.s32 $0x1B8B  }
0xa2: {  	_ =	swait.ge [sflag:s23], $0x1  }
0xa3: {  	[sflag:s23] =	ssyncset.done $0x0  }
0xa4: {  	s25 =	simm.s32 $0x1B8E;
	s24 =	sld [smem:$0x3FFE];
	[sflag:s23] =	ssyncadd.s32 $0xFFFFFFFF  }
0xa5: {  	s26 =	simm.s32 $execute0_lowered;
	[smem:$0x3FD2] =	sst s25  }
0xa6: {  	s5 =	sshll.u32 s26, $0x1;
	_ =	strace $0x80000046;
	[dreg:$0x1] =	wrdreg $0xFFFFFFFF  }
0xa7: {  	s28 =	simm.s32 $_size_execute0_lowered;
	s3 =	sadd.s32 s3, s5;
	[dreg:$0x0] =	wrdreg $0x0  }
0xa8: {  	s5 =	sshll.u32 s28, $0x1;
	[dreg:$0x2] =	wrdreg s3  }
0xa9: {  	[dreg:$0x3] =	wrdreg s5  }
0xaa: {  	[dreg:$0x4] =	wrdreg $0xC0  }
0xab: {  	_ =	task [dreg:s7], $0x5FFFF  }
0xac: {  	[dreg:$0x1] =	wrdreg $0xFFFFFFFF  }
0xad: {  	[dreg:$0x0] =	wrdreg $0x60  }
0xae: {  	[dreg:$0x2] =	wrdreg s24  }
0xaf: {  	[dreg:$0x3] =	wrdreg s2  }
0xb0: {  	[dreg:$0x4] =	wrdreg $0x9  }
0xb1: {  	_ =	task.clear_ibuf [dreg:s7], $0x5FFFF;
	_ =	strace $0x90000046  }
0xb2: {  	s29 =	simm.s32 $0x9;
	_ =	strace $0x80000048  }
0xb3: {  	_ =	swait.ge [sflag:s29], $0x1  }
0xb4: {  	[sflag:s29] =	ssyncadd.s32 $0xFFFFFFFF  }
0xb5: {  	_ =	strace $0x90000048  }
0xb6: {  	_ =	sfence  }
0xb7: {  	s30 =	sld [smem:$0x0];
	_ =	sdelay $0x2  }
0xb8: {  	s31 =	sshll.u32 s1, $0xD;
	s1 =	sshrl.u32 s1, $0x2  }
0xb9: {  	s3 =	sand.u32 $0x4000, s31;
	s1 =	sadd.s32 s1, s30  }
0xba: {  	s0 =	sor.u32 s3, s0;
	s1 =	sshll.u32 s1, $0x11  }
0xbb: {  	s0 =	sor.u32 s1, s0  }
0xbc: {  	s0 =	sadd.s32 $0x8F2B, s0  }
0xbd: {  	[sflag:s0] =	ssyncadd.remote.s32 $0x1  }
0xbe: {  	_ =	sfence.sel $0xFFFF  }
0xbf: {  	[dreg:$0x0] =	wrdreg $0xFFFFFFFF;
	(pc) =	sbr.abs _section_cstart, $3  }
0xc0: {  	[dreg:$0x1] =	wrdreg $0xFFFFFFFF  }
0xc1: {  	_ =	task.clear_ibuf [dreg:s7], $0x2FFFF;
	_ =	strace $0x9FFFFFFF  }
0xc2: {  	(tm) =	ssettm $0x7FFFFFFF  }
0xc3: {  	_ =	shalt  }
tec
execute0_lowered:
.L_overlay_start_1:
0x0: {  	(tag) =	ssettag $0x1  }
0x1: {  	s0 =	rddreg [dreg:$0x0];
	s1 =	srdreg.scid  }
0x2: {  	s9 =	stileid.u32;
	s4 =	rddreg [dreg:$0x1];
	s2 =	simm.s32 $0x0  }
0x3: {  	s13 =	simm.s32 $0x80;
	s18 =	simm.s32 $0x6000;
	s20 =	simm.s32 $0x7000  }
0x4: {  	s21 =	simm.s32 $0x1;
	s28 =	simm.s32 $0x4;
	s29 =	simm.s32 $0xB000  }
0x5: {  	s30 =	simm.s32 $0x5;
	s31 =	simm.s32 $0x7;
	s11 =	simm.s32 $0xB  }
0x6: {  	s15 =	simm.s32 $0xC;
	s1 =	sand.u32 $0x1, s1;
	s3 =	sshll.u32 s9, $0x1  }
0x7: {  	[smem:$0x7FF] =	sst s2;
	s22 =	sadd.s32 $0x27ACE00, s0;
	s25 =	sshll.u32 s9, $0xC  }
0x8: {  	s5 =	sor.u32 s1, s3;
	_ =	strace $0x80000047;
	s7 =	ssub.s32 $0x2, s1  }
0x9: {  	[dreg:$0x3] =	wrdreg s22;
	s1 =	sshll.u32 s1, $0xB;
	s22 =	simm.s32 $0x8000  }
0xa: {  	s3 =	sshll.u32 s5, $0x9;
	s8 =	sshrl.u32 s7, $0x1;
	s5 =	sshll.u32 s5, $0xB  }
0xb: {  	s6 =	sadd.s32 s3, s0;
	s7 =	ssub.s32 s7, s8;
	s5 =	sadd.s32 s5, s4  }
0xc: {  	s4 =	sadd.s32 s25, s4;
	s0 =	sadd.s32 $0x280E880, s0;
	s25 =	simm.s32 $0x3  }
.Ltmp0:
0xd: {  	s23 =	sadd.s32 $0xA00, s6;
	[dreg:$0x7] =	wrdreg s0;
	(pc) =	sbr.rel .LBB2_1-.Ltmp0, $4  }
0xe: {  	s24 =	smax.u32 s7, $0x1;
	s6 =	sadd.s32 $0x190200, s5;
	[dreg:$0x4] =	wrdreg s23  }
0xf: {  	s26 =	sadd.s32 $0x190600, s5;
	s8 =	sadd.s32 s1, s4;
	[dreg:$0x5] =	wrdreg s24  }
0x10: {  	s1 =	simm.s32 $0x8;
	s4 =	simm.s32 $0x0;
	[dreg:$0x6] =	wrdreg s26  }
0x11: {  	s23 =	simm.s32 $0x2;
	s24 =	simm.s32 $0x9000;
	s26 =	simm.s32 $0xA000  }
.LBB2_4:
0x12: {  	_ =	swait.ge [sflag:s1], $0x1000  }
0x13: {  	[sflag:s1] =	ssyncset.done $0x0  }
0x14: {  	s10 =	simm.s32 $0x9;
	s0 =	rddreg [dreg:$0x6];
	[sflag:s1] =	ssyncadd.s32 $0xFFFFF000  }
0x15: {  	[hbm4b:s0+s2] =	stream.linear.scatter [tilespmem:s29], [sflag:$0x10], $0x1000, $0x38;
	[tilespmem:$0xC000] =	vst v63  }
0x16: {  	_ =	swait.ge [sflag:s10], $0x1000  }
0x17: {  	[sflag:s10] =	ssyncset.done $0x0  }
0x18: {  	s12 =	simm.s32 $0xA;
	[sflag:s10] =	ssyncadd.s32 $0xFFFFF000  }
0x19: {  	_ =	swait.ge [sflag:s12], $0x1000  }
0x1a: {  	[sflag:s12] =	ssyncset.done $0x0  }
0x1b: {  	[sflag:s12] =	ssyncadd.s32 $0xFFFFF000  }
0x1c: {  	_ =	swait.ge [sflag:s11], $0x1000  }
0x1d: {  	[sflag:s11] =	ssyncset.done $0x0  }
0x1e: {  	[sflag:s11] =	ssyncadd.s32 $0xFFFFF000  }
0x1f: {  	_ =	swait.ge [sflag:s15], $0x1000  }
0x20: {  	[sflag:s15] =	ssyncset.done $0x0  }
0x21: {  	s14 =	simm.s32 $0xD;
	[sflag:s15] =	ssyncadd.s32 $0xFFFFF000  }
0x22: {  	_ =	swait.ge [sflag:s14], $0x1000  }
0x23: {  	[sflag:s14] =	ssyncset.done $0x0  }
0x24: {  	s16 =	simm.s32 $0xE;
	[sflag:s14] =	ssyncadd.s32 $0xFFFFF000  }
0x25: {  	_ =	swait.ge [sflag:s16], $0x1000  }
0x26: {  	[sflag:s16] =	ssyncset.done $0x0  }
0x27: {  	s17 =	simm.s32 $0xF;
	[sflag:s16] =	ssyncadd.s32 $0xFFFFF000  }
0x28: {  	_ =	swait.ge [sflag:s17], $0x1000  }
0x29: {  	[sflag:s17] =	ssyncset.done $0x0  }
0x2a: {  	s3 =	simm.s32 $0x10;
	[sflag:s17] =	ssyncadd.s32 $0xFFFFF000  }
0x2b: {  	_ =	swait.ge [sflag:s3], $0x1000  }
0x2c: {  	s4 =	rddreg [dreg:$0x8]  }
0x2d: {  	s19 =	rddreg [dreg:$0x5];
	s4 =	sadd.s32 $0x1, s4  }
0x2e: {  	p0 =	sne.s32 s4, s19  }
.Ltmp1:
0x2f: {  	_ = 	snop;
	(pc) =	sbr.rel @!p0 .LBB2_5-.Ltmp1, $3  }
0x30: {  	_ =	sdelay $0x1  }
0x31: {  	[sflag:s3] =	ssyncset.done $0x0  }
0x32: {  	[sflag:s3] =	ssyncadd.s32 $0xFFFFF000  }
.LBB2_1:
0x33: {  	[dreg:$0x8] =	wrdreg s4  }
0x34: {  	s0 =	rddreg [dreg:$0x4]  }
0x35: {  	s3 =	simm.s32 $0x1000;
	s7 =	simm.s32 $0x20000;
	s9 =	simm.s32 $0x11  }
0x36: {  	[tilespmem:s2], [sflag:$0x11] =	stream.strided.gather [hbm4b:s0+s3], $0x4000, s7, s3, $0x38;
	[tilespmem:$0xC000] =	vst v63  }
0x37: {  	_ =	swait.ge [sflag:s9], $0x4000  }
0x38: {  	[sflag:s9] =	ssyncset.done $0x0  }
0x39: {  	s12 =	simm.s32 $0x4000;
	s10 =	rddreg [dreg:$0x3];
	[sflag:s9] =	ssyncadd.s32 $0xFFFFC000  }
0x3a: {  	[tilespmem:s12], [sflag:$0x1] =	stream.indirect.gather [hbm4b:s10+s13], $0x20, s2, s13, $0xb8;
	[tilespmem:$0xC000] =	vst v63  }
0x3b: {  	s14 =	simm.s32 $0x400;
	s16 =	simm.s32 $0x5000  }
0x3c: {  	[tilespmem:s16], [sflag:$0x2] =	stream.indirect.gather [hbm4b:s10+s13], $0x20, s14, s13, $0xb8;
	[tilespmem:$0xC000] =	vst v63  }
0x3d: {  	s17 =	simm.s32 $0x800  }
0x3e: {  	[tilespmem:s18], [sflag:$0x3] =	stream.indirect.gather [hbm4b:s10+s13], $0x20, s17, s13, $0xb8;
	[tilespmem:$0xC000] =	vst v63  }
0x3f: {  	s19 =	simm.s32 $0xC00;
	s0 =	simm.s32 $0x0;
	s9 =	simm.s32 $0x100  }
0x40: {  	[tilespmem:s20], [sflag:$0x4] =	stream.indirect.gather [hbm4b:s10+s13], $0x20, s19, s13, $0xb8;
	[tilespmem:$0xC000] =	vst v63  }
0x41: {  	s12 =	rddreg [dreg:$0x7];
	s17 =	simm.s32 $0x0;
	s10 =	simm.s32 $0x0  }
.LBB2_2:
0x42: {  	_ =	swait.ge [sflag:s21], $0x1000  }
0x43: {  	s19 =	sadd.s32 s0, s8;
	p0 =	seq.s32 s0, $0x0;
	[sflag:s21] =	ssyncset.done $0x0  }
0x44: {  	s3 =	simm.s32 $0x4000;
	s4 =	simm.s32 @!p0 $0xD;
	[sflag:s21] =	ssyncadd.s32 $0xFFFFF000  }
0x45: {  	[hbm4b:s19+s2] =	stream.linear.scatter [tilespmem:s3], [sflag:$0x9], $0x1000, $0x38;
	[tilespmem:$0xC000] =	vst v63  }
0x46: {  	s5 =	sadd.s32 $0xFFFFFF80, s9;
	_ =	swait.ge @!p0 [sflag:s4], $0x1000  }
0x47: {  	s5 =	sand.u32 $0x380, s5;
	s3 =	sand.u32 $0x3000, s10;
	[sflag:s4] =	ssyncset.done @!p0 $0x0  }
0x48: {  	s14 =	sor.u32 s5, s3;
	[sflag:s4] =	ssyncadd.s32 @!p0 $0xFFFFF000  }
0x49: {  	[tilespmem:s22], [sflag:$0x5] =	stream.indirect.gather [hbm4b:s12+s13], $0x20, s14, s13, $0xb8;
	[tilespmem:$0xC000] =	vst v63  }
0x4a: {  	_ =	swait.ge [sflag:s23], $0x1000  }
0x4b: {  	s7 =	simm.s32 $0x5000;
	[sflag:s23] =	ssyncset.done $0x0  }
0x4c: {  	s16 =	sadd.s32 $0x200, s19;
	s4 =	simm.s32 @!p0 $0xE;
	[sflag:s23] =	ssyncadd.s32 $0xFFFFF000  }
0x4d: {  	[hbm4b:s16+s2] =	stream.linear.scatter [tilespmem:s7], [sflag:$0xA], $0x1000, $0x38;
	[tilespmem:$0xC000] =	vst v63  }
0x4e: {  	_ =	swait.ge @!p0 [sflag:s4], $0x1000  }
0x4f: {  	s3 =	sadd.s32 s5, s3;
	[sflag:s4] =	ssyncset.done @!p0 $0x0  }
0x50: {  	s14 =	sadd.s32 $0x400, s3;
	[sflag:s4] =	ssyncadd.s32 @!p0 $0xFFFFF000  }
0x51: {  	[tilespmem:s24], [sflag:$0x6] =	stream.indirect.gather [hbm4b:s12+s13], $0x20, s14, s13, $0xb8;
	[tilespmem:$0xC000] =	vst v63  }
0x52: {  	_ =	swait.ge [sflag:s25], $0x1000  }
0x53: {  	[sflag:s25] =	ssyncset.done $0x0  }
0x54: {  	s16 =	sadd.s32 $0x400, s19;
	s4 =	simm.s32 @!p0 $0xF;
	[sflag:s25] =	ssyncadd.s32 $0xFFFFF000  }
0x55: {  	[hbm4b:s16+s2] =	stream.linear.scatter [tilespmem:s18], [sflag:$0xB], $0x1000, $0x38;
	[tilespmem:$0xC000] =	vst v63  }
0x56: {  	_ =	swait.ge @!p0 [sflag:s4], $0x1000  }
0x57: {  	[sflag:s4] =	ssyncset.done @!p0 $0x0  }
0x58: {  	s3 =	sadd.s32 $0x800, s3;
	[sflag:s4] =	ssyncadd.s32 @!p0 $0xFFFFF000  }
0x59: {  	[tilespmem:s26], [sflag:$0x7] =	stream.indirect.gather [hbm4b:s12+s13], $0x20, s3, s13, $0xb8;
	[tilespmem:$0xC000] =	vst v63  }
0x5a: {  	_ =	swait.ge [sflag:s28], $0x1000  }
0x5b: {  	s5 =	sand.u32 $0x7, s17;
	s7 =	sadd.s32 $0x600, s19;
	[sflag:s28] =	ssyncset.done $0x0  }
0x5c: {  	s4 =	simm.s32 @!p0 $0x10;
	s3 =	sshll.u32 s5, $0x7;
	[sflag:s28] =	ssyncadd.s32 $0xFFFFF000  }
0x5d: {  	[hbm4b:s7+s2] =	stream.linear.scatter [tilespmem:s20], [sflag:$0xC], $0x1000, $0x38;
	[tilespmem:$0xC000] =	vst v63  }
0x5e: {  	s3 =	sadd.s32 $0x80, s3;
	_ =	swait.ge @!p0 [sflag:s4], $0x1000  }
0x5f: {  	s3 =	sadd.s32 s3, s10;
	[sflag:s4] =	ssyncset.done @!p0 $0x0  }
0x60: {  	s3 =	sor.u32 $0xC00, s3;
	[sflag:s4] =	ssyncadd.s32 @!p0 $0xFFFFF000  }
0x61: {  	[tilespmem:s29], [sflag:$0x8] =	stream.indirect.gather [hbm4b:s12+s13], $0x20, s3, s13, $0xb8;
	[tilespmem:$0xC000] =	vst v63  }
0x62: {  	_ =	swait.ge [sflag:s30], $0x1000  }
0x63: {  	p0 =	seq.s32 s0, $0x180000;
	[sflag:s30] =	ssyncset.done $0x0  }
0x64: {  	s14 =	sadd.s32 $0x10000, s19;
	s3 =	simm.s32 @p0 $0x6;
	[sflag:s30] =	ssyncadd.s32 $0xFFFFF000  }
0x65: {  	[hbm4b:s14+s2] =	stream.linear.scatter [tilespmem:s22], [sflag:$0xD], $0x1000, $0x38;
	[tilespmem:$0xC000] =	vst v63  }
0x66: {  	_ =	swait.ge @p0 [sflag:s3], $0x1000  }
0x67: {  	[sflag:s3] =	ssyncset.done @p0 $0x0  }
0x68: {  	s4 =	simm.s32 @p0 $0x9000;
	[sflag:s3] =	ssyncadd.s32 @p0 $0xFFFFF000;
	s3 =	simm.s32 @p0 $0x0  }
0x69: {  	[hbm4b:s6+s3] =	stream.linear.scatter @p0 [tilespmem:s4], [sflag:$0xE], $0x1000, $0x38;
	[tilespmem:$0xC000] =	vst v63  }
0x6a: {  	s5 =	sand.u32 @!p0 $0x300, s9;
	s3 =	simm.s32 @!p0 $0x9  }
0x6b: {  	s7 =	simm.s32 @!p0 $0x80;
	s4 =	sadd.s32 @!p0 $0x400, s10;
	_ =	swait.ge @!p0 [sflag:s3], $0x1000  }
0x6c: {  	s14 =	simm.s32 @!p0 $0x4000;
	s4 =	sand.u32 @!p0 $0x7000, s4;
	[sflag:s3] =	ssyncset.done @!p0 $0x0  }
0x6d: {  	[sflag:s3] =	ssyncadd.s32 @!p0 $0xFFFFF000;
	s3 =	sor.u32 @!p0 s5, s4;
	s4 =	sadd.s32 @!p0 $0x61A80, s12  }
0x6e: {  	[tilespmem:s14], [sflag:$0x1] =	stream.indirect.gather @!p0 [hbm4b:s4+s7], $0x20, s3, s7, $0xb8;
	[tilespmem:$0xC000] =	vst v63  }
0x6f: {  	s3 =	simm.s32 @!p0 $0x6  }
0x70: {  	_ =	swait.ge @!p0 [sflag:s3], $0x1000  }
0x71: {  	[sflag:s3] =	ssyncset.done @!p0 $0x0  }
0x72: {  	[sflag:s3] =	ssyncadd.s32 @!p0 $0xFFFFF000;
	s3 =	sadd.s32 @!p0 s0, s8  }
0x73: {  	s16 =	simm.s32 @!p0 $0x9000;
	s14 =	simm.s32 @!p0 $0x0;
	s3 =	sadd.s32 @!p0 $0x10200, s3  }
0x74: {  	[hbm4b:s3+s14] =	stream.linear.scatter @!p0 [tilespmem:s16], [sflag:$0xE], $0x1000, $0x38;
	[tilespmem:$0xC000] =	vst v63  }
0x75: {  	s3 =	simm.s32 @!p0 $0xA;
	s14 =	sadd.s32 @!p0 $0x480, s10  }
0x76: {  	_ =	swait.ge @!p0 [sflag:s3], $0x1000;
	s14 =	sand.u32 @!p0 $0x7000, s14  }
0x77: {  	s5 =	sor.u32 @!p0 s5, s14;
	[sflag:s3] =	ssyncset.done @!p0 $0x0  }
0x78: {  	[sflag:s3] =	ssyncadd.s32 @!p0 $0xFFFFF000;
	s3 =	sor.u32 @!p0 $0x400, s5;
	s5 =	simm.s32 @!p0 $0x5000  }
0x79: {  	[tilespmem:s5], [sflag:$0x2] =	stream.indirect.gather @!p0 [hbm4b:s4+s7], $0x20, s3, s7, $0xb8;
	[tilespmem:$0xC000] =	vst v63  }
.Ltmp2:
0x7a: {  	_ = 	snop;
	(pc) =	sbr.rel @p0 .LBB2_4-.Ltmp2, $4  }
0x7b: {  	_ =	swait.ge [sflag:s31], $0x1000  }
0x7c: {  	[sflag:s31] =	ssyncset.done $0x0  }
0x7d: {  	s16 =	sadd.s32 $0x10400, s19;
	[sflag:s31] =	ssyncadd.s32 $0xFFFFF000  }
0x7e: {  	[hbm4b:s16+s2] =	stream.linear.scatter [tilespmem:s26], [sflag:$0xF], $0x1000, $0x38;
	[tilespmem:$0xC000] =	vst v63  }
0x7f: {  	s3 =	sadd.s32 $0x500, s10  }
0x80: {  	_ =	swait.ge [sflag:s11], $0x1000;
	s4 =	sand.u32 $0x300, s9;
	s3 =	sand.u32 $0x7000, s3  }
0x81: {  	[sflag:s11] =	ssyncset.done $0x0;
	s3 =	sor.u32 s4, s3  }
0x82: {  	s5 =	sadd.s32 $0x61A80, s12;
	[sflag:s11] =	ssyncadd.s32 $0xFFFFF000;
	s3 =	sor.u32 $0x800, s3  }
0x83: {  	[tilespmem:s18], [sflag:$0x3] =	stream.indirect.gather [hbm4b:s5+s13], $0x20, s3, s13, $0xb8;
	[tilespmem:$0xC000] =	vst v63  }
0x84: {  	_ =	swait.ge [sflag:s1], $0x1000  }
0x85: {  	[sflag:s1] =	ssyncset.done $0x0  }
0x86: {  	s16 =	sadd.s32 $0x10600, s19;
	s19 =	sadd.s32 $0x580, s10;
	[sflag:s1] =	ssyncadd.s32 $0xFFFFF000  }
0x87: {  	[hbm4b:s16+s2] =	stream.linear.scatter [tilespmem:s29], [sflag:$0x10], $0x1000, $0x38;
	[tilespmem:$0xC000] =	vst v63  }
.Ltmp3:
0x88: {  	s17 =	sadd.s32 $0x2, s17;
	s10 =	sadd.s32 $0x400, s10;
	(pc) =	sbr.rel .LBB2_2-.Ltmp3, $4  }
0x89: {  	s0 =	sadd.s32 $0x20000, s0;
	s3 =	sand.u32 $0x7000, s19;
	_ =	swait.ge [sflag:s15], $0x1000  }
0x8a: {  	s12 =	sadd.s32 $0xC3500, s12;
	s3 =	sor.u32 s4, s3;
	[sflag:s15] =	ssyncset.done $0x0  }
0x8b: {  	s9 =	sadd.s32 $0x100, s9;
	s3 =	sor.u32 $0xC00, s3;
	[sflag:s15] =	ssyncadd.s32 $0xFFFFF000  }
0x8c: {  	[tilespmem:s20], [sflag:$0x4] =	stream.indirect.gather [hbm4b:s5+s13], $0x20, s3, s13, $0xb8;
	[tilespmem:$0xC000] =	vst v63  }
.LBB2_5:
0x8d: {  	_ =	sfence.sel $0x180000  }
0x8e: {  	[bflag:$0x0] =	sbarrier.arrive $0xFFFF  }
0x8f: {  	_ =	strace $0x90000047  }
0x90: {  	s0 =	stileid.u32;
	[bflag:$0x2] =	sbarrier.arrive $0xFFFF  }
0x91: {  	p0 =	sne.s32 s0, $0x0;
	s0 =	rddreg [dreg:$0x2]  }
0x92: {  	s0 =	sadd.s32 @!p0 $0x100000, s0  }
0x93: {  	[sflag:s0] =	ssyncadd.tile.s32 @!p0 $0x1;
	_ =	shalt  }
.Lfunc_end2:
_tile_overlayer_lowered:
.L_overlay_start_2:
0x94: {  	(tag) =	ssettag $0x2  }
0x95: {  	s0 =	rddreg [dreg:$0x0];
	s2 =	stileid.u32  }
0x96: {  	s1 =	rddreg [dreg:$0x1];
	p0 =	sne.s32 s2, $0x0  }
0x97: {  	s3 =	rddreg [dreg:$0x2];
	[bflag:$0x3] =	sbarrier.arrive $0xFFFF;
	s2 =	simm.s32 @!p0 $0x1C11  }
0x98: {  	[timem:s3], [sflag:s2] =	dma.local @!p0 [hbm:s0], s1  }
0x99: {  	s0 =	simm.s32 @!p0 $0x11  }
0x9a: {  	_ =	swait.ge @!p0 [sflag:s0], s1  }
0x9b: {  	s1 =	ssub.s32 @!p0 $0x0, s1;
	[sflag:s0] =	ssyncset.done @!p0 $0x0  }
0x9c: {  	[sflag:s0] =	ssyncadd.s32 @!p0 s1  }
0x9d: {  	[bflag:$0x3] =	sbarrier.arrive $0xFFFF  }
0x9e: {  	_ =	shalt  }

// kernel: sparse-core-data-format-call.cloned.1.call-start
scs
called_computation_lowered:
.L_overlay_start_0:
0x0: {  	s2 =	sld [smem:$0x3FD9]  }
0x1: {  	s3 =	sld [smem:$0x3FFE];
	_ =	sdelay $0x1  }
0x2: {  	s1 =	srdreg.scid  }
0x3: {  	s0 =	sand.u32 $0x1, s1  }
0x4: {  	s18 =	sshll.u32 s0, $0xA;
	s2 =	sadd.s32 s3, s2  }
0x5: {  	s2 =	sadd.s32 s2, s18  }
0x6: {  	[smem:$0x3FC6] =	sst s2  }
0x7: {  	_ = 	snop  }
0x8: {  	s2 =	sld [smem:$0x3FD0];
	(tm) =	ssettm $0x1  }
0x9: {  	s19 =	sld [smem:$0x3FFB];
	_ =	sdelay $0x3  }
0xa: {  	_ =	strace s19  }
0xb: {  	s3 =	sld [smem:$0x3FFC];
	_ =	sdelay $0x3  }
0xc: {  	_ =	strace s3  }
0xd: {  	s3 =	sld [smem:$0x3FFD];
	_ =	sdelay $0x3  }
0xe: {  	_ =	strace s3  }
0xf: {  	_ =	strace $0x8FFFFFFF  }
0x10: {  	s20 =	sld [smem:$0x3FDB];
	_ =	sdelay $0x1  }
0x11: {  	s4 =	simm.s32 $_scs_section_size  }
0x12: {  	s5 =	simm.s32 $_size__tile_overlayer_lowered;
	s6 =	simm.s32 $_tile_overlayer_lowered  }
0x13: {  	s23 =	simm.s32 $0x1BFF;
	s22 =	sshll.u32 s6, $0x1;
	s3 =	sadd.s32 s4, s20  }
0x14: {  	s7 =	simm.s32 $0x0;
	s21 =	sshll.u32 s5, $0x1;
	s5 =	sadd.s32 s22, s3  }
0x15: {  	[timem:s7], [sflag:s23] =	dma.local [hbm:s5], s21  }
0x16: {  	_ =	swait.ge [sflag:s23], s21  }
0x17: {  	s4 =	ssub.s32 $0x0, s21;
	[sflag:s23] =	ssyncset.done $0x0  }
0x18: {  	[sflag:s23] =	ssyncadd.s32 s4;
	_ =	sdelay $0x1  }
0x19: {  	s24 =	simm.s32 $0x1B8B  }
0x1a: {  	_ =	swait.ge [sflag:s24], $0x1  }
0x1b: {  	[sflag:s24] =	ssyncset.done $0x0  }
0x1c: {  	s26 =	simm.s32 $0x1B8E;
	s25 =	sld [smem:$0x3FFE];
	[sflag:s24] =	ssyncadd.s32 $0xFFFFFFFF  }
0x1d: {  	s27 =	simm.s32 $execute0_lowered;
	[smem:$0x3FD2] =	sst s26  }
0x1e: {  	s5 =	sshll.u32 s27, $0x1;
	_ =	strace $0x80000049;
	[dreg:$0x1] =	wrdreg $0xFFFFFFFF  }
0x1f: {  	s28 =	simm.s32 $_size_execute0_lowered;
	s3 =	sadd.s32 s3, s5;
	[dreg:$0x0] =	wrdreg $0x0  }
0x20: {  	s5 =	sshll.u32 s28, $0x1;
	[dreg:$0x2] =	wrdreg s3  }
0x21: {  	[dreg:$0x3] =	wrdreg s5  }
0x22: {  	[dreg:$0x4] =	wrdreg $0xC0  }
0x23: {  	_ =	task [dreg:s7], $0x5FFFF  }
0x24: {  	[dreg:$0x1] =	wrdreg $0xFFFFFFFF  }
0x25: {  	[dreg:$0x0] =	wrdreg $0x60  }
0x26: {  	[dreg:$0x2] =	wrdreg s25  }
0x27: {  	[dreg:$0x3] =	wrdreg s2  }
0x28: {  	[dreg:$0x4] =	wrdreg $0x9  }
0x29: {  	_ =	task.clear_ibuf [dreg:s7], $0x5FFFF;
	_ =	strace $0x90000049  }
0x2a: {  	s29 =	simm.s32 $0x9;
	_ =	strace $0x8000004B  }
0x2b: {  	_ =	swait.ge [sflag:s29], $0x1  }
0x2c: {  	[sflag:s29] =	ssyncadd.s32 $0xFFFFFFFF  }
0x2d: {  	_ =	strace $0x9000004B  }
0x2e: {  	_ =	sfence  }
0x2f: {  	s30 =	sld [smem:$0x0];
	_ =	sdelay $0x2  }
0x30: {  	s31 =	sshll.u32 s1, $0xD;
	s1 =	sshrl.u32 s1, $0x2  }
0x31: {  	s3 =	sand.u32 $0x4000, s31;
	s1 =	sadd.s32 s1, s30  }
0x32: {  	s0 =	sor.u32 s3, s0;
	s1 =	sshll.u32 s1, $0x11  }
0x33: {  	s0 =	sor.u32 s1, s0  }
0x34: {  	s0 =	sadd.s32 $0x8F2B, s0  }
0x35: {  	[sflag:s0] =	ssyncadd.remote.s32 $0x1  }
0x36: {  	_ =	sfence.sel $0xFFFF  }
0x37: {  	[dreg:$0x0] =	wrdreg $0xFFFFFFFF;
	(pc) =	sbr.abs _section_cstart, $3  }
0x38: {  	[dreg:$0x1] =	wrdreg $0xFFFFFFFF  }
0x39: {  	_ =	task.clear_ibuf [dreg:s7], $0x2FFFF;
	_ =	strace $0x9FFFFFFF  }
0x3a: {  	(tm) =	ssettm $0x7FFFFFFF  }
0x3b: {  	_ =	shalt  }
tec
execute0_lowered:
.L_overlay_start_1:
0x0: {  	(tag) =	ssettag $0x1  }
0x1: {  	s0 =	srdreg.scid  }
0x2: {  	s1 =	sshll.u32 s0, $0x4  }
0x3: {  	s0 =	stileid.u32;
	s1 =	sand.u32 $0x10, s1  }
0x4: {  	s7 =	rddreg [dreg:$0x0];
	s1 =	sor.u32 s0, s1  }
0x5: {  	s4 =	simm.s32 $0x1;
	s8 =	simm.s32 $0x2;
	s2 =	sshll.u32 s1, $0x7  }
0x6: {  	s13 =	simm.s32 $0x0;
	s9 =	simm.s32 $0x20000;
	s1 =	ssub.s32 $0x4000, s2  }
0x7: {  	s14 =	simm.s32 $0x0;
	s11 =	simm.s32 $0x0;
	s3 =	sand.u32 $0xF80, s1  }
0x8: {  	s12 =	simm.s32 $0x0;
	s5 =	sshrl.u32 s1, $0xC;
	p0 =	sne.s32 s3, $0x0  }
.Ltmp0:
0x9: {  	s1 =	rddreg [dreg:$0x2];
	s4 =	simm.s32 @!p0 $0x0;
	(pc) =	sbr.rel .LBB1_1-.Ltmp0, $4  }
0xa: {  	s6 =	sadd.s32 $0xA00, s7;
	s3 =	rddreg [dreg:$0x1];
	s5 =	sadd.s32 s4, s5  }
0xb: {  	_ =	strace $0x8000004A;
	s4 =	simm.s32 $0x1;
	s5 =	smul.u32 $0xD, s5  }
0xc: {  	s7 =	sadd.s32 $0x40A00, s7;
	s10 =	smov.u32 s2;
	[sflag:s4] =	ssyncpa.u1 $0x0  }
0xd: {  	p0 =	por $0x0, $0x0;
	[sflag:s8] =	ssyncpa.u1 $0x0;
	s8 =	sadd.s32 $0x1, s5  }
.LBB1_7:
0xe: {  	s15 =	sadd.s32 $0x1000, s10  }
0xf: {  	s13 =	sadd.s32 $0x2, s11;
	s17 =	smov.u32 s11;
	p2 =	sgt.s32 s15, $0x3FFF  }
0x10: {  	s17 =	smov.u32 @p2 s13  }
0x11: {  	s15 =	smov.u32 @p2 s2;
	p2 =	sgt.s32 s17, $0x19  }
0x12: {  	s17 =	simm.s32 @p2 $0x0;
	p2 =	sne.s32 s12, s8  }
.Ltmp1:
0x13: {  	p1 =	slt.u32 s12, $0x2;
	(pc) =	sbr.rel @!p2 .LBB1_8-.Ltmp1, $4  }
0x14: {  	s16 =	simm.s32 @!p1 $0x2  }
0x15: {  	s14 =	smov.u32 s11;
	p0 =	por !p0, !p0;
	_ =	swait.ge @!p1 [sflag:s16], $0x2000  }
0x16: {  	s13 =	smov.u32 s10;
	[sflag:s16] =	ssyncset.done @!p1 $0x0;
	s10 =	smov.u32 s15  }
0x17: {  	s12 =	sadd.s32 $0x1, s12;
	[sflag:s16] =	ssyncadd.s32 @!p1 $0xFFFFE000;
	s11 =	smov.u32 s17  }
.LBB1_1:
0x18: {  	p1 =	sge.u32 s12, s5  }
0x19: {  	s15 =	sxor.u32 @!p1 $0xFFFFFFFF, s12;
	s16 =	sshll.u32 @!p1 s11, $0x12  }
0x1a: {  	s17 =	sshll.u32 @!p1 s10, $0x4;
	s19 =	simm.s32 @!p1 $0x20;
	s20 =	simm.s32 @!p1 $0x80  }
0x1b: {  	s15 =	sshll.u32 @!p1 s15, $0xD;
	s17 =	sand.u32 @!p1 $0x3FFF0, s17;
	s18 =	sadd.s32 @!p1 s6, s16  }
0x1c: {  	s16 =	sadd.s32 @!p1 s16, s7;
	s15 =	sand.u32 @!p1 $0x2000, s15;
	s18 =	sadd.s32 @!p1 s17, s18  }
0x1d: {  	[tilespmem:s15], [sflag:$0x1] =	stream.strided.gather @!p1 [hbm4b:s18+s19], $0x1000, s20, s19, $0x38;
	[tilespmem:$0x8080] =	vst v63  }
0x1e: {  	s31 =	sadd.s32 $0xFFFFFFFF, s12;
	s16 =	sadd.s32 @!p1 s17, s16;
	s15 =	sor.u32 @!p1 $0x1000, s15  }
0x1f: {  	[tilespmem:s15], [sflag:$0x1] =	stream.strided.gather @!p1 [hbm4b:s16+s19], $0x1000, s20, s19, $0x38;
	[tilespmem:$0x8080] =	vst v63  }
0x20: {  	p1 =	sge.u32 s31, s5  }
.Ltmp2:
0x21: {  	_ = 	snop;
	(pc) =	sbr.rel @p1 .LBB1_7-.Ltmp2, $1  }
0x22: {  	_ =	sdelay $0x3  }
0x23: {  	s15 =	simm.s32 $0x1;
	s17 =	sand.u32 $0x1, s12  }
0x24: {  	_ =	swait.ge [sflag:s4], $0x2000;
	s15 =	simm.s32 @!p0 $0x0;
	s17 =	smul.u32 $0x8100, s17  }
0x25: {  	p2 =	por $0x1, $0x1;
	[sflag:s4] =	ssyncset.done $0x0;
	s16 =	smul.u32 $0x8100, s15  }
0x26: {  	s18 =	sshll.u32 s15, $0xF;
	[sflag:s4] =	ssyncadd.s32 $0xFFFFE000;
	s30 =	sshrl.u32 s17, $0x2  }
0x27: {  	s31 =	sshrl.u32 s18, $0x2;
	s18 =	simm.s32 $0x0;
	s16 =	sshrl.u32 s16, $0x2  }
0x28: {  	s15 =	sor.u32 $0x4000, s30;
	s17 =	sadd.s32 $0x10, s31;
	s16 =	sor.u32 $0x4000, s16  }
.LBB1_3:
0x29: {  	s19 =	sshll.u32 s18, $0xC  }
0x2a: {  	s19 =	sand.u32 $0x3FFFF000, s19  }
0x2b: {  	s20 =	sadd.s32 s19, s17  }
0x2c: {  	s31 =	smul.u32 $0x4080, s18;
	v1 =	vld [tilespmem:s20+$0x0]  }
0x2d: {  	v0 =	vld [tilespmem:s20+$0xFFFFFFF0]  }
0x2e: {  	s18 =	sshra.s32 s31, $0x2  }
0x2f: {  	s18 =	sadd.s32 s18, s16  }
0x30: {  	s21 =	sadd.s32 $0x0, s18  }
0x31: {  	p1 =	por p2, p2;
	s19 =	simm.s32 $0x4;
	s20 =	sadd.s32 $0x20, s20;
	[tilespmem:s21+$0x810 ss:$0x81] =	vst.msk $0xffff, v1  }
.LBB1_4:
0x32: {  	v1 =	vld [tilespmem:s20+$0x0];
	p2 =	sne.s32 s19, $0x1FC;
	[tilespmem:s21+$0x0 ss:$0x81] =	vst.msk $0xffff, v0;
	s21 =	smov.u32 s19;
	s19 =	sadd.s32 $0x4, s19  }
.Ltmp3:
0x33: {  	v0 =	vld [tilespmem:s20+$0xFFFFFFF0];
	(pc) =	sbr.rel @p2 .LBB1_4-.Ltmp3, $4  }
0x34: {  	_ = 	snop  }
0x35: {  	s21 =	sshra.s32 s21, $0x2  }
0x36: {  	s21 =	sadd.s32 s21, s18  }
0x37: {  	s20 =	sadd.s32 $0x20, s20;
	[tilespmem:s21+$0x810 ss:$0x81] =	vst.msk $0xffff, v1  }
.Ltmp4:
0x38: {  	(pc) =	sbr.rel @p1 .LBB1_3-.Ltmp4, $2  }
0x39: {  	_ =	sdelay $0x2  }
0x3a: {  	[tilespmem:s21+$0x0 ss:$0x81] =	vst.msk $0xffff, v0;
	s18 =	simm.s32 $0x1;
	p2 =	por $0x0, $0x0  }
0x3b: {  	s16 =	sshll.u32 s13, $0x3;
	s17 =	sand.u32 $0x78, s13;
	s14 =	sshll.u32 s14, $0x10  }
.Ltmp5:
0x3c: {  	s30 =	sand.u32 $0xF800, s13;
	s16 =	sand.u32 $0x3C00, s16;
	(pc) =	sbr.rel .LBB1_7-.Ltmp5, $4  }
0x3d: {  	s31 =	sand.u32 $0x7, s13;
	s14 =	sadd.s32 s3, s14;
	s16 =	sor.u32 s17, s16  }
0x3e: {  	s13 =	sshll.u32 s31, $0x12;
	s14 =	sadd.s32 s30, s14;
	s16 =	sshrl.u32 s16, $0x3  }
0x3f: {  	s13 =	sor.u32 $0x400, s13;
	s14 =	sadd.s32 s16, s14  }
0x40: {  	[hbm4b:s14+s13] =	stream.strided.scatter [tilespmem:s15], [sflag:$0x2], $0x2000, s9, s13, $0x20;
	[tilespmem:$0x8080] =	vst v63  }
.LBB1_8:
0x41: {  	_ =	sfence.sel $0x180000  }
0x42: {  	s2 =	simm.s32 $0x1;
	[bflag:$0x0] =	sbarrier.arrive $0xFFFF  }
0x43: {  	s31 =	simm.s32 $0x2;
	[sflag:s2] =	ssyncpa.u1 $0x1  }
0x44: {  	[sflag:s31] =	ssyncpa.u1 $0x1  }
0x45: {  	p0 =	sne.s32 s0, $0x0;
	_ =	strace $0x9000004A  }
0x46: {  	s0 =	sadd.s32 @!p0 $0x100000, s1;
	[bflag:$0x2] =	sbarrier.arrive $0xFFFF  }
0x47: {  	[sflag:s0] =	ssyncadd.tile.s32 @!p0 $0x1;
	_ =	shalt  }
.Lfunc_end1:
_tile_overlayer_lowered:
.L_overlay_start_2:
0x48: {  	(tag) =	ssettag $0x2  }
0x49: {  	s0 =	rddreg [dreg:$0x0];
	s2 =	stileid.u32  }
0x4a: {  	s1 =	rddreg [dreg:$0x1];
	p0 =	sne.s32 s2, $0x0  }
0x4b: {  	s3 =	rddreg [dreg:$0x2];
	[bflag:$0x3] =	sbarrier.arrive $0xFFFF;
	s2 =	simm.s32 @!p0 $0x1C01  }
0x4c: {  	[timem:s3], [sflag:s2] =	dma.local @!p0 [hbm:s0], s1  }
0x4d: {  	s0 =	simm.s32 @!p0 $0x1  }
0x4e: {  	_ =	swait.ge @!p0 [sflag:s0], s1  }
0x4f: {  	s1 =	ssub.s32 @!p0 $0x0, s1;
	[sflag:s0] =	ssyncset.done @!p0 $0x0  }
0x50: {  	[sflag:s0] =	ssyncadd.s32 @!p0 s1  }
0x51: {  	[bflag:$0x3] =	sbarrier.arrive $0xFFFF  }
0x52: {  	_ =	shalt  }

</sc_bundles>
